<compile_context>
chip_gen: v7x
topology: tpu7x:2x2x1
jax: 0.10.2.dev20260603
libtpu: 0.0.44.dev20260713+nightly
codegen_flags: <defaults>
</compile_context>

<pallas_src>
import numpy as np
import jax
import jax.numpy as jnp
from jax import lax
from jax.experimental import pallas as pl
from jax.experimental.pallas import tpu as pltpu
from jax.experimental.pallas import tpu_sc as plsc

_LEVEL_HW = [(100, 152), (50, 76), (25, 38), (13, 19), (7, 10)]
_LEVEL_SIZES = [h * w for h, w in _LEVEL_HW]
_BOUNDS = np.cumsum([0] + _LEVEL_SIZES)
_N = int(_BOUNDS[-1])
_NUM_CLASS = 80
_NMS_PRE = 1000
_SCORE_THR = 0.05
_IOU_THR = 0.5
_MAX_PER_IMG = 100
_IMG_H, _IMG_W = 800.0, 1216.0
_NEG = -1e9

_R, _C = 160, 128
_NPAD = _R * _C
_IMIN = np.int32(-2**31)

_NCAND = sum(min(_NMS_PRE, n) for n in _LEVEL_SIZES)
_CR = 26
_CPAD = _CR * _C
_TRASH = _CPAD - 1

_NCORES, _NSUB = 2, 16
_NW = _NCORES * _NSUB
_CHROWS = _NPAD // (_NW * _C)


def _select_kernel(pc_ref, bb_ref, ct_ref, mesh_ref, pay_ref, pos_ref):
    f32 = jnp.float32

    def cls_body(c, carry):
        m, lab = carry
        v = pc_ref[c]
        upd = v > m
        return jnp.where(upd, v, m), jnp.where(upd, c.astype(f32), lab)

    m, lab = jax.lax.fori_loop(
        1, _NUM_CLASS, cls_body, (pc_ref[0], jnp.zeros((_R, _C), f32)))

    p = (lax.broadcasted_iota(jnp.int32, (_R, _C), 0) * _C
         + lax.broadcasted_iota(jnp.int32, (_R, _C), 1))
    valid = p < _N

    mbits = lax.bitcast_convert_type(m, jnp.int32)
    skey = mbits ^ ((mbits >> 31) & jnp.int32(0x7FFFFFFF))

    def cnt(mask):
        return jnp.sum(mask.astype(jnp.int32))

    lm0 = p < int(_BOUNDS[1])
    lm1 = (p >= int(_BOUNDS[1])) & (p < int(_BOUNDS[2]))
    k = _NMS_PRE

    def bs_body(b, carry):
        cand0, cand1 = carry
        bit = jnp.left_shift(jnp.int32(1), jnp.int32(31) - b)
        t0 = cand0 | bit
        t1 = cand1 | bit
        c0 = cnt(lm0 & (skey >= (t0 ^ _IMIN)))
        c1 = cnt(lm1 & (skey >= (t1 ^ _IMIN)))
        return (jnp.where(c0 >= k, t0, cand0), jnp.where(c1 >= k, t1, cand1))

    cand0, cand1 = jax.lax.fori_loop(
        0, 32, bs_body, (jnp.int32(0), jnp.int32(0)))
    gt0 = lm0 & (skey > (cand0 ^ _IMIN))
    eq0 = lm0 & (skey == (cand0 ^ _IMIN))
    gt1 = lm1 & (skey > (cand1 ^ _IMIN))
    eq1 = lm1 & (skey == (cand1 ^ _IMIN))
    need0 = jnp.int32(k) - cnt(gt0)
    need1 = jnp.int32(k) - cnt(gt1)

    def idx_body(_, carry):
        lo0, hi0, lo1, hi1 = carry
        mid0 = (lo0 + hi0) // 2
        mid1 = (lo1 + hi1) // 2
        ok0 = cnt(eq0 & (p <= mid0)) >= need0
        ok1 = cnt(eq1 & (p <= mid1)) >= need1
        return (jnp.where(ok0, lo0, mid0 + 1), jnp.where(ok0, mid0, hi0),
                jnp.where(ok1, lo1, mid1 + 1), jnp.where(ok1, mid1, hi1))

    lo0, _, lo1, _ = jax.lax.fori_loop(
        0, 15, idx_body,
        (jnp.int32(0), jnp.int32(_NPAD - 1),
         jnp.int32(0), jnp.int32(_NPAD - 1)))
    sel0 = gt0 | (eq0 & (p <= lo0))
    sel1 = gt1 | (eq1 & (p <= lo1))
    sel = sel0 | sel1 | (valid & (p >= int(_BOUNDS[2])))

    def sig(x):
        return 1.0 / (1.0 + jnp.exp(-x))

    sc = sig(m) * sig(ct_ref[...])
    sc = jnp.where(sc > _SCORE_THR, sc, f32(_NEG))
    s = jnp.where(sel, sc, f32(_NEG))

    mx, my = mesh_ref[0], mesh_ref[1]
    x1 = jnp.clip(mx - bb_ref[0], 0.0, _IMG_W)
    y1 = jnp.clip(my - bb_ref[1], 0.0, _IMG_H)
    x2 = jnp.clip(mx + bb_ref[2], 0.0, _IMG_W)
    y2 = jnp.clip(my + bb_ref[3], 0.0, _IMG_H)
    area = (x2 - x1) * (y2 - y1)

    selF = sel.astype(f32)
    ic0 = lax.broadcasted_iota(jnp.int32, (_C, _C), 0)
    ic1 = lax.broadcasted_iota(jnp.int32, (_C, _C), 1)
    tri_c = (ic0 <= ic1).astype(f32)
    ones_c = jnp.ones((_C, _C), f32)
    ir0 = lax.broadcasted_iota(jnp.int32, (_R, _R), 0)
    ir1 = lax.broadcasted_iota(jnp.int32, (_R, _R), 1)
    tri_r = (ir1 < ir0).astype(f32)

    csum = jnp.dot(selF, tri_c, preferred_element_type=f32)
    tot = jnp.dot(selF, ones_c, preferred_element_type=f32)
    offs = jnp.dot(tri_r, tot, preferred_element_type=f32)
    posf = csum - selF + offs
    pos_ref[...] = jnp.where(sel, posf.astype(jnp.int32), jnp.int32(_TRASH))

    zero = jnp.zeros((_R, _C), f32)
    pay_ref[0] = jnp.where(valid, x1, zero)
    pay_ref[1] = jnp.where(valid, y1, zero)
    pay_ref[2] = jnp.where(valid, x2, zero)
    pay_ref[3] = jnp.where(valid, y2, zero)
    pay_ref[4] = jnp.where(valid, s, f32(_NEG))
    pay_ref[5] = jnp.where(valid, lab, zero)


def _nms_kernel(cmp_ref, out_ref):
    f32 = jnp.float32

    p = (lax.broadcasted_iota(jnp.int32, (_CR, _C), 0) * _C
         + lax.broadcasted_iota(jnp.int32, (_CR, _C), 1))
    x1 = cmp_ref[0]
    y1 = cmp_ref[1]
    x2 = cmp_ref[2]
    y2 = cmp_ref[3]
    s0 = jnp.where(p < _NCAND, cmp_ref[4], f32(_NEG))
    lab = cmp_ref[5]
    area = (x2 - x1) * (y2 - y1)

    lane = lax.broadcasted_iota(jnp.int32, (1, _C), 1)
    lane_col = lax.broadcasted_iota(jnp.int32, (_C, _C), 0)

    def nms_body(i, s):
        bscore_b = jnp.max(jnp.max(s, axis=0, keepdims=True),
                           axis=1, keepdims=True)
        pickm = s == jnp.broadcast_to(bscore_b, (_CR, _C))
        km = jnp.where(pickm, p, jnp.int32(_CPAD))
        bidx_b = jnp.min(jnp.min(km, axis=0, keepdims=True),
                         axis=1, keepdims=True)
        r = (bidx_b // _C)[0, 0]
        onehot = (lane == jnp.broadcast_to(bidx_b % _C, (1, _C))).astype(f32)

        def pick_plane(kk):
            return jnp.sum(cmp_ref[kk, pl.ds(r, 1), :] * onehot,
                           axis=1, keepdims=True)

        bx1 = pick_plane(0)
        by1 = pick_plane(1)
        bx2 = pick_plane(2)
        by2 = pick_plane(3)
        blab = pick_plane(5)
        barea = (bx2 - bx1) * (by2 - by1)

        ix1 = jnp.maximum(bx1, x1)
        iy1 = jnp.maximum(by1, y1)
        ix2 = jnp.minimum(bx2, x2)
        iy2 = jnp.minimum(by2, y2)
        inter = jnp.maximum(ix2 - ix1, 0.0) * jnp.maximum(iy2 - iy1, 0.0)
        iou = inter / (barea + area - inter + 1e-6)
        sup = (iou > _IOU_THR) & (lab == blab)

        bscore_row = jnp.broadcast_to(bscore_b, (1, _C))
        row = (jnp.where(lane == 0, bx1, 0.0)
               + jnp.where(lane == 1, by1, 0.0)
               + jnp.where(lane == 2, bx2, 0.0)
               + jnp.where(lane == 3, by2, 0.0)
               + jnp.where(lane == 4, bscore_row, 0.0)
               + jnp.where(lane == 5, blab, 0.0))
        row = jnp.where(bscore_row > 0.0, row, 0.0)
        out_ref[pl.ds(i, 1), :] = row

        bidx_full = jnp.broadcast_to(bidx_b, (_CR, _C))
        return jnp.where(sup | (p == bidx_full), f32(_NEG), s)

    jax.lax.fori_loop(0, _MAX_PER_IMG, nms_body, s0)


def _sc_compact_kernel(pos_hbm, pay_hbm, out_hbm, idx_v, val_v, out_v):
    g = lax.axis_index("s") * _NCORES + lax.axis_index("c")

    @pl.when(g < 6)
    def _():
        pltpu.sync_copy(pos_hbm, idx_v)
        pltpu.sync_copy(pay_hbm.at[g], val_v)

        zeros16 = jnp.zeros((16,), jnp.float32)
        for t in range((_CPAD - _NCAND) // 16 + 1):
            out_v[pl.ds(_CPAD - 16 * (t + 1), 16)] = zeros16

        def body(i, carry):
            sl = pl.ds(i * 16, 16)
            plsc.store_scatter(out_v, [idx_v[sl]], val_v[sl])
            return carry

        lax.fori_loop(0, _NPAD // 16, body, jnp.int32(0))
        pltpu.sync_copy(out_v, out_hbm.at[g])


def _sc_compact(pos1, pay6):
    return pl.kernel(
        _sc_compact_kernel,
        out_type=jax.ShapeDtypeStruct((6, _CPAD), jnp.float32),
        mesh=plsc.VectorSubcoreMesh(
            core_axis_name="c", subcore_axis_name="s",
            num_cores=_NCORES, num_subcores=_NSUB),
        compiler_params=pltpu.CompilerParams(needs_layout_passes=False),
        scratch_types=[
            pltpu.VMEM((_NPAD,), jnp.int32),
            pltpu.VMEM((_NPAD,), jnp.float32),
            pltpu.VMEM((_CPAD,), jnp.float32),
        ],
    )(pos1, pay6)


def _prep(pred_class, pred_bbox, pred_centerness, mesh):
    padn = _NPAD - _N
    pc3 = jnp.pad(pred_class, ((0, padn), (0, 0)),
                  constant_values=-1e30).T.reshape(_NUM_CLASS, _R, _C)
    bb3 = jnp.pad(pred_bbox, ((0, padn), (0, 0))).T.reshape(4, _R, _C)
    ct2 = jnp.pad(pred_centerness, (0, padn)).reshape(_R, _C)
    mesh3 = jnp.pad(mesh, ((0, padn), (0, 0))).T.reshape(2, _R, _C)
    return pc3, bb3, ct2, mesh3


def _select_call(pc3, bb3, ct2, mesh3, *, interpret=False):
    return pl.pallas_call(
        _select_kernel,
        out_shape=[
            jax.ShapeDtypeStruct((6, _R, _C), jnp.float32),
            jax.ShapeDtypeStruct((_R, _C), jnp.int32),
        ],
        interpret=interpret,
    )(pc3, bb3, ct2, mesh3)


def _nms_call(cmp8, *, interpret=False):
    return pl.pallas_call(
        _nms_kernel,
        out_shape=jax.ShapeDtypeStruct((_MAX_PER_IMG, _C), jnp.float32),
        interpret=interpret,
    )(cmp8)


def kernel(pred_class, pred_bbox, pred_centerness, mesh):
    pay6, pos = _select_call(*_prep(pred_class, pred_bbox, pred_centerness, mesh))
    cmp = _sc_compact(pos.reshape(_NPAD), pay6.reshape(6, _NPAD))
    out = _nms_call(cmp.reshape(6, _CR, _C))
    return out[:, :6]

# --- scband reference (transcript-rebuilt; emitter-appended) ---
"""Pipeline reference for scband-fcoshead-25022479466687 (READ-ONLY COPY).

The authoritative reference and input builder live on the scoring server;
editing this copy changes nothing except your own understanding.
"""

import jax, jax.numpy as jnp
import numpy as np

LEVEL_HW = [(100, 152), (50, 76), (25, 38), (13, 19), (7, 10)]
STRIDES = [8, 16, 32, 64, 128]
LEVEL_SIZES = [h * w for h, w in LEVEL_HW]
N_POINTS = sum(LEVEL_SIZES)
NUM_CLASS = 80
NMS_PRE = 1000
SCORE_THR = 0.05
IOU_THR = 0.5
MAX_PER_IMG = 100
IMG_H, IMG_W = 800.0, 1216.0
NEG = -1e9


def setup_inputs(seed: int = 0):
    key = jax.random.key(seed)
    k1, k2, k3 = jax.random.split(key, 3)
    pred_class = jax.random.normal(k1, (N_POINTS, NUM_CLASS), jnp.float32) - 2.0
    pred_bbox = jax.random.uniform(k2, (N_POINTS, 4), jnp.float32) * 64.0 + 1.0
    pred_centerness = jax.random.normal(k3, (N_POINTS,), jnp.float32)
    meshes = []
    for (h, w), s in zip(LEVEL_HW, STRIDES):
        ys = (jnp.arange(h, dtype=jnp.float32) + 0.5) * s
        xs = (jnp.arange(w, dtype=jnp.float32) + 0.5) * s
        yy, xx = jnp.meshgrid(ys, xs, indexing='ij')
        meshes.append(jnp.stack([xx.reshape(-1), yy.reshape(-1)], axis=-1))
    mesh = jnp.concatenate(meshes, axis=0)
    return {"pred_class": pred_class, "pred_bbox": pred_bbox,
            "pred_centerness": pred_centerness, "mesh": mesh}


def distance2bbox(dist, mesh):
    x1 = mesh[:, 0] - dist[:, 0]
    y1 = mesh[:, 1] - dist[:, 1]
    x2 = mesh[:, 0] + dist[:, 2]
    y2 = mesh[:, 1] + dist[:, 3]
    boxes = jnp.stack([x1, y1, x2, y2], axis=-1)
    maxs = jnp.array([IMG_W, IMG_H, IMG_W, IMG_H], jnp.float32)
    boxes = jnp.minimum(jnp.maximum(boxes, 0.0), maxs)
    return boxes


def box_iou_one_to_many(box, boxes):
    x1 = jnp.maximum(box[0], boxes[:, 0])
    y1 = jnp.maximum(box[1], boxes[:, 1])
    x2 = jnp.minimum(box[2], boxes[:, 2])
    y2 = jnp.minimum(box[3], boxes[:, 3])
    inter = jnp.maximum(x2 - x1, 0.0) * jnp.maximum(y2 - y1, 0.0)
    area1 = (box[2] - box[0]) * (box[3] - box[1])
    area2 = (boxes[:, 2] - boxes[:, 0]) * (boxes[:, 3] - boxes[:, 1])
    return inter / (area1 + area2 - inter + 1e-6)


def nms(boxes, scores, labels):
    def body(i, carry):
        s, out = carry
        best = jnp.argmax(s)
        bscore = s[best]
        bbox = boxes[best]
        blab = labels[best]
        valid = bscore > 0.0
        row = jnp.concatenate([bbox, bscore[None], blab[None]])
        out = out.at[i].set(jnp.where(valid, row, jnp.zeros((6,), jnp.float32)))
        ious = box_iou_one_to_many(bbox, boxes)
        suppress = (ious > IOU_THR) & (labels == blab)
        s = jnp.where(suppress, NEG, s)
        s = s.at[best].set(NEG)
        return (s, out)
    out0 = jnp.zeros((MAX_PER_IMG, 6), jnp.float32)
    _, out = jax.lax.fori_loop(0, MAX_PER_IMG, body, (scores, out0))
    return out


def _post_detection(pred_class, pred_bbox, pred_centerness, mesh):
    mlvl_scores, mlvl_cent, mlvl_boxes = [], [], []
    start = 0
    for n in LEVEL_SIZES:
        cls = jax.nn.sigmoid(pred_class[start:start + n])
        ct = jax.nn.sigmoid(pred_centerness[start:start + n])
        bb = pred_bbox[start:start + n]
        m = mesh[start:start + n]
        start += n
        k = min(NMS_PRE, n)
        max_scores = jnp.max(cls, axis=1)
        _, idx = jax.lax.top_k(max_scores, k)
        mlvl_scores.append(cls[idx])
        mlvl_cent.append(ct[idx])
        mlvl_boxes.append(distance2bbox(bb[idx], m[idx]))
    scores = jnp.concatenate(mlvl_scores, axis=0)
    cent = jnp.concatenate(mlvl_cent, axis=0)
    boxes = jnp.concatenate(mlvl_boxes, axis=0)
    final = scores * cent[:, None]
    sc = jnp.max(final, axis=1)
    lab = jnp.argmax(final, axis=1).astype(jnp.float32)
    sc = jnp.where(sc > SCORE_THR, sc, NEG)
    return nms(boxes, sc, lab)


def reference(pred_class, pred_bbox, pred_centerness, mesh):
    return _post_detection(pred_class, pred_bbox, pred_centerness, mesh)

if __name__ == "__main__":
    import jax
    _d = setup_inputs()
    print(jax.jit(kernel)(*tuple(_d.values())))

</pallas_src>

<mosaic_0001>
#map = affine_map<(d0, d1) -> (0)>
#map1 = affine_map<(d0, d1) -> (0, 0)>
module attributes {stable_mosaic.version = 14 : i64} {
  func.func @_sc_compact_kernel(%arg0: i32, %arg1: i32, %arg2: memref<20480xi32, #tpu.memory_space<hbm>>, %arg3: memref<6x20480xf32, #tpu.memory_space<hbm>>, %arg4: memref<6x3328xf32, #tpu.memory_space<hbm>>, %arg5: memref<20480xi32, #tpu.memory_space<vmem>>, %arg6: memref<20480xf32, #tpu.memory_space<vmem>>, %arg7: memref<3328xf32, #tpu.memory_space<vmem>>) attributes {dimension_semantics = [#tpu.dimension_semantics<core_parallel>, #tpu.dimension_semantics<subcore_parallel>], iteration_bounds = array<i64: 2, 16>, scalar_prefetch = 0 : i64, scratch_operands = 3 : i64, tpu.core_type = #tpu.core_type<sc_vector_subcore>, window_params = [{transform_indices = #map}, {transform_indices = #map1}, {transform_indices = #map1}]} {
    %mul3A = arith.constant 2 : i32
    %mul3A_0 = arith.muli %arg1, %mul3A : i32
    %add3A = arith.addi %mul3A_0, %arg0 : i32
    %lt3A = arith.constant 6 : i32
    %lt3A_1 = arith.cmpi slt, %add3A, %lt3A : i32
    %convert_element_type3A = arith.extui %lt3A_1 : i1 to i32
    %cond3A = arith.constant 0 : i32
    %cond3A_2 = arith.cmpi ne, %convert_element_type3A, %cond3A : i32
    scf.if %cond3A_2 {
      "tpu.region"() ({
        %run_scoped3A = tpu.sem_alloc : memref<!tpu.dma_semaphore, #tpu.memory_space<semaphore_mem>>
        tpu.enqueue_dma source(%arg2 : memref<20480xi32, #tpu.memory_space<hbm>>) target(%arg5 : memref<20480xi32, #tpu.memory_space<vmem>>) target_semaphore(%run_scoped3A : memref<!tpu.dma_semaphore, #tpu.memory_space<semaphore_mem>>)
        tpu.wait_dma2 semaphore(%run_scoped3A : memref<!tpu.dma_semaphore, #tpu.memory_space<semaphore_mem>>) src(%arg2 : memref<20480xi32, #tpu.memory_space<hbm>>) dst(%arg5 : memref<20480xi32, #tpu.memory_space<vmem>>)
        tpu.yield
      }) : () -> ()
      "tpu.region"() ({
        %run_scoped3A = tpu.sem_alloc : memref<!tpu.dma_semaphore, #tpu.memory_space<semaphore_mem>>
        %dma_start3A = arith.constant 0 : i32
        %dma_start3A_16 = tpu.memref_slice %arg3[%add3A, %dma_start3A] : memref<6x20480xf32, #tpu.memory_space<hbm>> -> memref<1x20480xf32, #tpu.memory_space<hbm>>
        %dma_start3A_17 = tpu.memref_squeeze %dma_start3A_16 : memref<1x20480xf32, #tpu.memory_space<hbm>> -> memref<20480xf32, #tpu.memory_space<hbm>>
        %dma_start3A_18 = arith.constant 0 : i32
        %dma_start3A_19 = tpu.memref_slice %arg3[%add3A, %dma_start3A_18] : memref<6x20480xf32, #tpu.memory_space<hbm>> -> memref<1x20480xf32, #tpu.memory_space<hbm>>
        %dma_start3A_20 = tpu.memref_squeeze %dma_start3A_19 : memref<1x20480xf32, #tpu.memory_space<hbm>> -> memref<20480xf32, #tpu.memory_space<hbm>>
        tpu.enqueue_dma source(%dma_start3A_20 : memref<20480xf32, #tpu.memory_space<hbm>>) target(%arg6 : memref<20480xf32, #tpu.memory_space<vmem>>) target_semaphore(%run_scoped3A : memref<!tpu.dma_semaphore, #tpu.memory_space<semaphore_mem>>)
        %dma_wait3A = arith.constant 0 : i32
        %dma_wait3A_21 = tpu.memref_slice %arg3[%add3A, %dma_wait3A] : memref<6x20480xf32, #tpu.memory_space<hbm>> -> memref<1x20480xf32, #tpu.memory_space<hbm>>
        %dma_wait3A_22 = tpu.memref_squeeze %dma_wait3A_21 : memref<1x20480xf32, #tpu.memory_space<hbm>> -> memref<20480xf32, #tpu.memory_space<hbm>>
        %dma_wait3A_23 = arith.constant 0 : i32
        %dma_wait3A_24 = tpu.memref_slice %arg3[%add3A, %dma_wait3A_23] : memref<6x20480xf32, #tpu.memory_space<hbm>> -> memref<1x20480xf32, #tpu.memory_space<hbm>>
        %dma_wait3A_25 = tpu.memref_squeeze %dma_wait3A_24 : memref<1x20480xf32, #tpu.memory_space<hbm>> -> memref<20480xf32, #tpu.memory_space<hbm>>
        tpu.wait_dma2 semaphore(%run_scoped3A : memref<!tpu.dma_semaphore, #tpu.memory_space<semaphore_mem>>) src(%dma_wait3A_25 : memref<20480xf32, #tpu.memory_space<hbm>>) dst(%arg6 : memref<20480xf32, #tpu.memory_space<vmem>>)
        tpu.yield
      }) : () -> ()
      %broadcast_in_dim3A = arith.constant 0.000000e+00 : f32
      %broadcast_in_dim3A_3 = vector.broadcast %broadcast_in_dim3A : f32 to vector<16xf32>
      %swap3A = arith.constant 3312 : index
      %swap3A_4 = tpu.vector_load %arg7[%swap3A] {strides = array<i32>} : memref<3328xf32, #tpu.memory_space<vmem>>, vector<16xf32>,
      tpu.vector_store %arg7[%swap3A], %broadcast_in_dim3A_3 {strides = array<i32>} : memref<3328xf32, #tpu.memory_space<vmem>>, vector<16xf32>,
      %swap3A_5 = arith.constant 3296 : index
      %swap3A_6 = tpu.vector_load %arg7[%swap3A_5] {strides = array<i32>} : memref<3328xf32, #tpu.memory_space<vmem>>, vector<16xf32>,
      tpu.vector_store %arg7[%swap3A_5], %broadcast_in_dim3A_3 {strides = array<i32>} : memref<3328xf32, #tpu.memory_space<vmem>>, vector<16xf32>,
      %swap3A_7 = arith.constant 3280 : index
      %swap3A_8 = tpu.vector_load %arg7[%swap3A_7] {strides = array<i32>} : memref<3328xf32, #tpu.memory_space<vmem>>, vector<16xf32>,
      tpu.vector_store %arg7[%swap3A_7], %broadcast_in_dim3A_3 {strides = array<i32>} : memref<3328xf32, #tpu.memory_space<vmem>>, vector<16xf32>,
      %swap3A_9 = arith.constant 3264 : index
      %swap3A_10 = tpu.vector_load %arg7[%swap3A_9] {strides = array<i32>} : memref<3328xf32, #tpu.memory_space<vmem>>, vector<16xf32>,
      tpu.vector_store %arg7[%swap3A_9], %broadcast_in_dim3A_3 {strides = array<i32>} : memref<3328xf32, #tpu.memory_space<vmem>>, vector<16xf32>,
      %scan3A = arith.constant 0 : i32
      %scan3A_11 = arith.constant 0 : i32
      %scan3A_12 = arith.constant 1280 : i32
      %scan3A_13 = arith.addi %scan3A_11, %scan3A_12 : i32
      %scan3A_14 = arith.constant 1 : i32
      scf.for %scan3A_16 = %scan3A_11 to %scan3A_13 step %scan3A_14  : i32 {
        %mul3A_17 = arith.constant 16 : i32
        %mul3A_18 = arith.muli %scan3A_16, %mul3A_17 : i32
        %get3A = arith.index_cast %mul3A_18 : i32 to index
        %get3A_19 = tpu.vector_load %arg5[%get3A] {strides = array<i32>} : memref<20480xi32, #tpu.memory_space<vmem>>, vector<16xi32>,
        %get3A_20 = arith.index_cast %mul3A_18 : i32 to index
        %get3A_21 = tpu.vector_load %arg6[%get3A_20] {strides = array<i32>} : memref<20480xf32, #tpu.memory_space<vmem>>, vector<16xf32>,
        tpu.vector_store_idx %arg7[%get3A_19], %get3A_21 : memref<3328xf32, #tpu.memory_space<vmem>>[vector<16xi32>], vector<16xf32>,
      }
      %scan3A_15 = arith.constant 1280 : i32
      "tpu.region"() ({
        %run_scoped3A = tpu.sem_alloc : memref<!tpu.dma_semaphore, #tpu.memory_space<semaphore_mem>>
        %dma_start3A = arith.constant 0 : i32
        %dma_start3A_16 = tpu.memref_slice %arg4[%add3A, %dma_start3A] : memref<6x3328xf32, #tpu.memory_space<hbm>> -> memref<1x3328xf32, #tpu.memory_space<hbm>>
        %dma_start3A_17 = tpu.memref_squeeze %dma_start3A_16 : memref<1x3328xf32, #tpu.memory_space<hbm>> -> memref<3328xf32, #tpu.memory_space<hbm>>
        %dma_start3A_18 = arith.constant 0 : i32
        %dma_start3A_19 = tpu.memref_slice %arg4[%add3A, %dma_start3A_18] : memref<6x3328xf32, #tpu.memory_space<hbm>> -> memref<1x3328xf32, #tpu.memory_space<hbm>>
        %dma_start3A_20 = tpu.memref_squeeze %dma_start3A_19 : memref<1x3328xf32, #tpu.memory_space<hbm>> -> memref<3328xf32, #tpu.memory_space<hbm>>
        tpu.enqueue_dma source(%arg7 : memref<3328xf32, #tpu.memory_space<vmem>>) target(%dma_start3A_20 : memref<3328xf32, #tpu.memory_space<hbm>>) target_semaphore(%run_scoped3A : memref<!tpu.dma_semaphore, #tpu.memory_space<semaphore_mem>>)
        %dma_wait3A = arith.constant 0 : i32
        %dma_wait3A_21 = tpu.memref_slice %arg4[%add3A, %dma_wait3A] : memref<6x3328xf32, #tpu.memory_space<hbm>> -> memref<1x3328xf32, #tpu.memory_space<hbm>>
        %dma_wait3A_22 = tpu.memref_squeeze %dma_wait3A_21 : memref<1x3328xf32, #tpu.memory_space<hbm>> -> memref<3328xf32, #tpu.memory_space<hbm>>
        %dma_wait3A_23 = arith.constant 0 : i32
        %dma_wait3A_24 = tpu.memref_slice %arg4[%add3A, %dma_wait3A_23] : memref<6x3328xf32, #tpu.memory_space<hbm>> -> memref<1x3328xf32, #tpu.memory_space<hbm>>
        %dma_wait3A_25 = tpu.memref_squeeze %dma_wait3A_24 : memref<1x3328xf32, #tpu.memory_space<hbm>> -> memref<3328xf32, #tpu.memory_space<hbm>>
        tpu.wait_dma2 semaphore(%run_scoped3A : memref<!tpu.dma_semaphore, #tpu.memory_space<semaphore_mem>>) src(%arg7 : memref<3328xf32, #tpu.memory_space<vmem>>) dst(%dma_wait3A_25 : memref<3328xf32, #tpu.memory_space<hbm>>)
        tpu.yield
      }) : () -> ()
    } else {
    }
    return
  }
}

module attributes {stable_mosaic.version = 14 : i64} {
  func.func @_select_kernel(%arg0: memref<80x160x128xf32, #tpu.memory_space<vmem>>, %arg1: memref<4x160x128xf32, #tpu.memory_space<vmem>>, %arg2: memref<160x128xf32, #tpu.memory_space<vmem>>, %arg3: memref<2x160x128xf32, #tpu.memory_space<vmem>>, %arg4: memref<6x160x128xf32, #tpu.memory_space<vmem>>, %arg5: memref<160x128xi32, #tpu.memory_space<vmem>>) attributes {dimension_semantics = [], scalar_prefetch = 0 : i64, scratch_operands = 0 : i64, tpu.core_type = #tpu.core_type<tc>} {
    %get3A = arith.constant 0 : index
    %get3A_0 = arith.constant 0 : index
    %get3A_1 = arith.constant 0 : index
    %get3A_2 = vector.load %arg0[%get3A, %get3A_0, %get3A_1] : memref<80x160x128xf32, #tpu.memory_space<vmem>>, vector<1x160x128xf32>
    %get3A_3 = vector.shape_cast %get3A_2 : vector<1x160x128xf32> to vector<160x128xf32>
    %broadcast_in_dim3A = arith.constant 0.000000e+00 : f32
    %broadcast_in_dim3A_4 = vector.broadcast %broadcast_in_dim3A : f32 to vector<160x128xf32>
    %scan3A = arith.constant 1 : i32
    %scan3A_5 = arith.constant 79 : i32
    %scan3A_6 = arith.addi %scan3A, %scan3A_5 : i32
    %scan3A_7 = arith.constant 1 : i32
    %scan3A_8:2 = scf.for %scan3A_245 = %scan3A to %scan3A_6 step %scan3A_7 iter_args(%scan3A_246 = %get3A_3, %scan3A_247 = %broadcast_in_dim3A_4) -> (vector<160x128xf32>, vector<160x128xf32>)  : i32 {
      %get3A_248 = arith.index_cast %scan3A_245 : i32 to index
      %get3A_249 = arith.constant 0 : index
      %get3A_250 = arith.constant 0 : index
      %get3A_251 = vector.load %arg0[%get3A_248, %get3A_249, %get3A_250] : memref<80x160x128xf32, #tpu.memory_space<vmem>>, vector<1x160x128xf32>
      %get3A_252 = vector.shape_cast %get3A_251 : vector<1x160x128xf32> to vector<160x128xf32>
      %gt3A_253 = arith.cmpf ogt, %get3A_252, %scan3A_246 : vector<160x128xf32>
      %select_n3A_254 = arith.select %gt3A_253, %get3A_252, %scan3A_246 : vector<160x128xi1>, vector<160x128xf32>
      %convert_element_type3A_255 = arith.sitofp %scan3A_245 : i32 to f32
      %broadcast_in_dim3A_256 = vector.broadcast %convert_element_type3A_255 : f32 to vector<160x128xf32>
      %select_n3A_257 = arith.select %gt3A_253, %broadcast_in_dim3A_256, %scan3A_247 : vector<160x128xi1>, vector<160x128xf32>
      scf.yield %select_n3A_254, %select_n3A_257 : vector<160x128xf32>, vector<160x128xf32>
    }
    %scan3A_9 = arith.constant 79 : i32
    %iota3A = tpu.iota {dimensions = array<i32: 0>} : vector<160x128xi32>
    %mul3A = arith.constant 128 : i32
    %mul3A_10 = vector.broadcast %mul3A : i32 to vector<160x128xi32>
    %mul3A_11 = arith.muli %iota3A, %mul3A_10 : vector<160x128xi32>
    %iota3A_12 = tpu.iota {dimensions = array<i32: 1>} : vector<160x128xi32>
    %add3A = arith.addi %mul3A_11, %iota3A_12 : vector<160x128xi32>
    %lt3A = arith.constant 20267 : i32
    %lt3A_13 = vector.broadcast %lt3A : i32 to vector<160x128xi32>
    %lt3A_14 = arith.cmpi slt, %add3A, %lt3A_13 : vector<160x128xi32>
    %bitcast_convert_type3A = tpu.bitcast %scan3A_8#0 : vector<160x128xf32> -> vector<160x128xi32>
    %shift_right_arithmetic3A = arith.constant 31 : i32
    %shift_right_arithmetic3A_15 = vector.broadcast %shift_right_arithmetic3A : i32 to vector<160x128xi32>
    %shift_right_arithmetic3A_16 = arith.shrsi %bitcast_convert_type3A, %shift_right_arithmetic3A_15 : vector<160x128xi32>
    %and3A = arith.constant 2147483647 : i32
    %and3A_17 = vector.broadcast %and3A : i32 to vector<160x128xi32>
    %and3A_18 = arith.andi %shift_right_arithmetic3A_16, %and3A_17 : vector<160x128xi32>
    %xor3A = arith.xori %bitcast_convert_type3A, %and3A_18 : vector<160x128xi32>
    %lt3A_19 = arith.constant 15200 : i32
    %lt3A_20 = vector.broadcast %lt3A_19 : i32 to vector<160x128xi32>
    %lt3A_21 = arith.cmpi slt, %add3A, %lt3A_20 : vector<160x128xi32>
    %ge3A = arith.constant 15200 : i32
    %ge3A_22 = vector.broadcast %ge3A : i32 to vector<160x128xi32>
    %ge3A_23 = arith.cmpi sge, %add3A, %ge3A_22 : vector<160x128xi32>
    %lt3A_24 = arith.constant 19000 : i32
    %lt3A_25 = vector.broadcast %lt3A_24 : i32 to vector<160x128xi32>
    %lt3A_26 = arith.cmpi slt, %add3A, %lt3A_25 : vector<160x128xi32>
    %and3A_27 = arith.andi %ge3A_23, %lt3A_26 : vector<160x128xi1>
    %scan3A_28 = arith.constant 0 : i32
    %scan3A_29 = arith.constant 0 : i32
    %scan3A_30 = arith.constant 0 : i32
    %scan3A_31 = arith.constant 32 : i32
    %scan3A_32 = arith.addi %scan3A_30, %scan3A_31 : i32
    %scan3A_33 = arith.constant 1 : i32
    %scan3A_34:2 = scf.for %scan3A_245 = %scan3A_30 to %scan3A_32 step %scan3A_33 iter_args(%scan3A_246 = %scan3A_28, %scan3A_247 = %scan3A_29) -> (i32, i32)  : i32 {
      %sub3A_248 = arith.constant 31 : i32
      %sub3A_249 = arith.subi %sub3A_248, %scan3A_245 : i32
      %shift_left3A = arith.constant 1 : i32
      %shift_left3A_250 = arith.shli %shift_left3A, %sub3A_249 : i32
      %or3A_251 = arith.ori %scan3A_246, %shift_left3A_250 : i32
      %or3A_252 = arith.ori %scan3A_247, %shift_left3A_250 : i32
      %xor3A_253 = arith.constant -2147483648 : i32
      %xor3A_254 = arith.xori %or3A_251, %xor3A_253 : i32
      %ge3A_255 = vector.broadcast %xor3A_254 : i32 to vector<160x128xi32>
      %ge3A_256 = arith.cmpi sge, %xor3A, %ge3A_255 : vector<160x128xi32>
      %and3A_257 = arith.andi %lt3A_21, %ge3A_256 : vector<160x128xi1>
      %convert_element_type3A_258 = arith.extui %and3A_257 : vector<160x128xi1> to vector<160x128xi32>
      %reduce_sum3A_259 = vector.shape_cast %convert_element_type3A_258 : vector<160x128xi32> to vector<1x160x128xi32>
      %reduce_sum3A_260 = arith.constant dense<0> : vector<1xi32>
      %reduce_sum3A_261 = vector.multi_reduction <add>, %reduce_sum3A_259, %reduce_sum3A_260 [1, 2] : vector<1x160x128xi32> to vector<1xi32>
      %reduce_sum3A_262 = vector.shape_cast %reduce_sum3A_261 : vector<1xi32> to vector<1x1x1xi32>
      %reduce_sum3A_263 = vector.extract %reduce_sum3A_262[0, 0, 0] : i32 from vector<1x1x1xi32>
      %xor3A_264 = arith.constant -2147483648 : i32
      %xor3A_265 = arith.xori %or3A_252, %xor3A_264 : i32
      %ge3A_266 = vector.broadcast %xor3A_265 : i32 to vector<160x128xi32>
      %ge3A_267 = arith.cmpi sge, %xor3A, %ge3A_266 : vector<160x128xi32>
      %and3A_268 = arith.andi %and3A_27, %ge3A_267 : vector<160x128xi1>
      %convert_element_type3A_269 = arith.extui %and3A_268 : vector<160x128xi1> to vector<160x128xi32>
      %reduce_sum3A_270 = vector.shape_cast %convert_element_type3A_269 : vector<160x128xi32> to vector<1x160x128xi32>
      %reduce_sum3A_271 = arith.constant dense<0> : vector<1xi32>
      %reduce_sum3A_272 = vector.multi_reduction <add>, %reduce_sum3A_270, %reduce_sum3A_271 [1, 2] : vector<1x160x128xi32> to vector<1xi32>
      %reduce_sum3A_273 = vector.shape_cast %reduce_sum3A_272 : vector<1xi32> to vector<1x1x1xi32>
      %reduce_sum3A_274 = vector.extract %reduce_sum3A_273[0, 0, 0] : i32 from vector<1x1x1xi32>
      %ge3A_275 = arith.constant 1000 : i32
      %ge3A_276 = arith.cmpi sge, %reduce_sum3A_263, %ge3A_275 : i32
      %select_n3A_277 = arith.select %ge3A_276, %or3A_251, %scan3A_246 : i32
      %ge3A_278 = arith.constant 1000 : i32
      %ge3A_279 = arith.cmpi sge, %reduce_sum3A_274, %ge3A_278 : i32
      %select_n3A_280 = arith.select %ge3A_279, %or3A_252, %scan3A_247 : i32
      scf.yield %select_n3A_277, %select_n3A_280 : i32, i32
    }
    %scan3A_35 = arith.constant 32 : i32
    %xor3A_36 = arith.constant -2147483648 : i32
    %xor3A_37 = arith.xori %scan3A_34#0, %xor3A_36 : i32
    %gt3A = vector.broadcast %xor3A_37 : i32 to vector<160x128xi32>
    %gt3A_38 = arith.cmpi sgt, %xor3A, %gt3A : vector<160x128xi32>
    %and3A_39 = arith.andi %lt3A_21, %gt3A_38 : vector<160x128xi1>
    %xor3A_40 = arith.constant -2147483648 : i32
    %xor3A_41 = arith.xori %scan3A_34#0, %xor3A_40 : i32
    %eq3A = vector.broadcast %xor3A_41 : i32 to vector<160x128xi32>
    %eq3A_42 = arith.cmpi eq, %xor3A, %eq3A : vector<160x128xi32>
    %and3A_43 = arith.andi %lt3A_21, %eq3A_42 : vector<160x128xi1>
    %xor3A_44 = arith.constant -2147483648 : i32
    %xor3A_45 = arith.xori %scan3A_34#1, %xor3A_44 : i32
    %gt3A_46 = vector.broadcast %xor3A_45 : i32 to vector<160x128xi32>
    %gt3A_47 = arith.cmpi sgt, %xor3A, %gt3A_46 : vector<160x128xi32>
    %and3A_48 = arith.andi %and3A_27, %gt3A_47 : vector<160x128xi1>
    %xor3A_49 = arith.constant -2147483648 : i32
    %xor3A_50 = arith.xori %scan3A_34#1, %xor3A_49 : i32
    %eq3A_51 = vector.broadcast %xor3A_50 : i32 to vector<160x128xi32>
    %eq3A_52 = arith.cmpi eq, %xor3A, %eq3A_51 : vector<160x128xi32>
    %and3A_53 = arith.andi %and3A_27, %eq3A_52 : vector<160x128xi1>
    %convert_element_type3A = arith.extui %and3A_39 : vector<160x128xi1> to vector<160x128xi32>
    %reduce_sum3A = vector.shape_cast %convert_element_type3A : vector<160x128xi32> to vector<1x160x128xi32>
    %reduce_sum3A_54 = arith.constant dense<0> : vector<1xi32>
    %reduce_sum3A_55 = vector.multi_reduction <add>, %reduce_sum3A, %reduce_sum3A_54 [1, 2] : vector<1x160x128xi32> to vector<1xi32>
    %reduce_sum3A_56 = vector.shape_cast %reduce_sum3A_55 : vector<1xi32> to vector<1x1x1xi32>
    %reduce_sum3A_57 = vector.extract %reduce_sum3A_56[0, 0, 0] : i32 from vector<1x1x1xi32>
    %sub3A = arith.constant 1000 : i32
    %sub3A_58 = arith.subi %sub3A, %reduce_sum3A_57 : i32
    %convert_element_type3A_59 = arith.extui %and3A_48 : vector<160x128xi1> to vector<160x128xi32>
    %reduce_sum3A_60 = vector.shape_cast %convert_element_type3A_59 : vector<160x128xi32> to vector<1x160x128xi32>
    %reduce_sum3A_61 = arith.constant dense<0> : vector<1xi32>
    %reduce_sum3A_62 = vector.multi_reduction <add>, %reduce_sum3A_60, %reduce_sum3A_61 [1, 2] : vector<1x160x128xi32> to vector<1xi32>
    %reduce_sum3A_63 = vector.shape_cast %reduce_sum3A_62 : vector<1xi32> to vector<1x1x1xi32>
    %reduce_sum3A_64 = vector.extract %reduce_sum3A_63[0, 0, 0] : i32 from vector<1x1x1xi32>
    %sub3A_65 = arith.constant 1000 : i32
    %sub3A_66 = arith.subi %sub3A_65, %reduce_sum3A_64 : i32
    %scan3A_67 = arith.constant 0 : i32
    %scan3A_68 = arith.constant 20479 : i32
    %scan3A_69 = arith.constant 0 : i32
    %scan3A_70 = arith.constant 20479 : i32
    %scan3A_71 = arith.constant 0 : i32
    %scan3A_72 = arith.constant 15 : i32
    %scan3A_73 = arith.addi %scan3A_71, %scan3A_72 : i32
    %scan3A_74 = arith.constant 1 : i32
    %scan3A_75:4 = scf.for %scan3A_245 = %scan3A_71 to %scan3A_73 step %scan3A_74 iter_args(%scan3A_246 = %scan3A_67, %scan3A_247 = %scan3A_68, %scan3A_248 = %scan3A_69, %scan3A_249 = %scan3A_70) -> (i32, i32, i32, i32)  : i32 {
      %add3A_250 = arith.addi %scan3A_246, %scan3A_247 : i32
      %jit3A_251 = arith.constant 2 : i32
      %div3A_252 = arith.divsi %add3A_250, %jit3A_251 : i32
      %sign3A = arith.constant 0 : i32
      %sign3A_253 = arith.cmpi sgt, %add3A_250, %sign3A : i32
      %sign3A_254 = arith.extui %sign3A_253 : i1 to i32
      %sign3A_255 = arith.constant 0 : i32
      %sign3A_256 = arith.cmpi slt, %add3A_250, %sign3A_255 : i32
      %sign3A_257 = arith.extui %sign3A_256 : i1 to i32
      %sign3A_258 = arith.subi %sign3A_254, %sign3A_257 : i32
      %sign3A_259 = arith.constant 0 : i32
      %sign3A_260 = arith.cmpi sgt, %jit3A_251, %sign3A_259 : i32
      %sign3A_261 = arith.extui %sign3A_260 : i1 to i32
      %sign3A_262 = arith.constant 0 : i32
      %sign3A_263 = arith.cmpi slt, %jit3A_251, %sign3A_262 : i32
      %sign3A_264 = arith.extui %sign3A_263 : i1 to i32
      %sign3A_265 = arith.subi %sign3A_261, %sign3A_264 : i32
      %ne3A = arith.cmpi ne, %sign3A_258, %sign3A_265 : i32
      %rem3A = arith.remsi %add3A_250, %jit3A_251 : i32
      %ne3A_266 = arith.constant 0 : i32
      %ne3A_267 = arith.cmpi ne, %rem3A, %ne3A_266 : i32
      %and3A_268 = arith.andi %ne3A, %ne3A_267 : i1
      %sub3A_269 = arith.constant 1 : i32
      %sub3A_270 = arith.subi %div3A_252, %sub3A_269 : i32
      %select_n3A_271 = arith.select %and3A_268, %sub3A_270, %div3A_252 : i32
      %add3A_272 = arith.addi %scan3A_248, %scan3A_249 : i32
      %jit3A_273 = arith.constant 2 : i32
      %div3A_274 = arith.divsi %add3A_272, %jit3A_273 : i32
      %sign3A_275 = arith.constant 0 : i32
      %sign3A_276 = arith.cmpi sgt, %add3A_272, %sign3A_275 : i32
      %sign3A_277 = arith.extui %sign3A_276 : i1 to i32
      %sign3A_278 = arith.constant 0 : i32
      %sign3A_279 = arith.cmpi slt, %add3A_272, %sign3A_278 : i32
      %sign3A_280 = arith.extui %sign3A_279 : i1 to i32
      %sign3A_281 = arith.subi %sign3A_277, %sign3A_280 : i32
      %sign3A_282 = arith.constant 0 : i32
      %sign3A_283 = arith.cmpi sgt, %jit3A_273, %sign3A_282 : i32
      %sign3A_284 = arith.extui %sign3A_283 : i1 to i32
      %sign3A_285 = arith.constant 0 : i32
      %sign3A_286 = arith.cmpi slt, %jit3A_273, %sign3A_285 : i32
      %sign3A_287 = arith.extui %sign3A_286 : i1 to i32
      %sign3A_288 = arith.subi %sign3A_284, %sign3A_287 : i32
      %ne3A_289 = arith.cmpi ne, %sign3A_281, %sign3A_288 : i32
      %rem3A_290 = arith.remsi %add3A_272, %jit3A_273 : i32
      %ne3A_291 = arith.constant 0 : i32
      %ne3A_292 = arith.cmpi ne, %rem3A_290, %ne3A_291 : i32
      %and3A_293 = arith.andi %ne3A_289, %ne3A_292 : i1
      %sub3A_294 = arith.constant 1 : i32
      %sub3A_295 = arith.subi %div3A_274, %sub3A_294 : i32
      %select_n3A_296 = arith.select %and3A_293, %sub3A_295, %div3A_274 : i32
      %le3A_297 = vector.broadcast %select_n3A_271 : i32 to vector<160x128xi32>
      %le3A_298 = arith.cmpi sle, %add3A, %le3A_297 : vector<160x128xi32>
      %and3A_299 = arith.andi %and3A_43, %le3A_298 : vector<160x128xi1>
      %convert_element_type3A_300 = arith.extui %and3A_299 : vector<160x128xi1> to vector<160x128xi32>
      %reduce_sum3A_301 = vector.shape_cast %convert_element_type3A_300 : vector<160x128xi32> to vector<1x160x128xi32>
      %reduce_sum3A_302 = arith.constant dense<0> : vector<1xi32>
      %reduce_sum3A_303 = vector.multi_reduction <add>, %reduce_sum3A_301, %reduce_sum3A_302 [1, 2] : vector<1x160x128xi32> to vector<1xi32>
      %reduce_sum3A_304 = vector.shape_cast %reduce_sum3A_303 : vector<1xi32> to vector<1x1x1xi32>
      %reduce_sum3A_305 = vector.extract %reduce_sum3A_304[0, 0, 0] : i32 from vector<1x1x1xi32>
      %ge3A_306 = arith.cmpi sge, %reduce_sum3A_305, %sub3A_58 : i32
      %le3A_307 = vector.broadcast %select_n3A_296 : i32 to vector<160x128xi32>
      %le3A_308 = arith.cmpi sle, %add3A, %le3A_307 : vector<160x128xi32>
      %and3A_309 = arith.andi %and3A_53, %le3A_308 : vector<160x128xi1>
      %convert_element_type3A_310 = arith.extui %and3A_309 : vector<160x128xi1> to vector<160x128xi32>
      %reduce_sum3A_311 = vector.shape_cast %convert_element_type3A_310 : vector<160x128xi32> to vector<1x160x128xi32>
      %reduce_sum3A_312 = arith.constant dense<0> : vector<1xi32>
      %reduce_sum3A_313 = vector.multi_reduction <add>, %reduce_sum3A_311, %reduce_sum3A_312 [1, 2] : vector<1x160x128xi32> to vector<1xi32>
      %reduce_sum3A_314 = vector.shape_cast %reduce_sum3A_313 : vector<1xi32> to vector<1x1x1xi32>
      %reduce_sum3A_315 = vector.extract %reduce_sum3A_314[0, 0, 0] : i32 from vector<1x1x1xi32>
      %ge3A_316 = arith.cmpi sge, %reduce_sum3A_315, %sub3A_66 : i32
      %add3A_317 = arith.constant 1 : i32
      %add3A_318 = arith.addi %select_n3A_271, %add3A_317 : i32
      %select_n3A_319 = arith.select %ge3A_306, %scan3A_246, %add3A_318 : i32
      %select_n3A_320 = arith.select %ge3A_306, %select_n3A_271, %scan3A_247 : i32
      %add3A_321 = arith.constant 1 : i32
      %add3A_322 = arith.addi %select_n3A_296, %add3A_321 : i32
      %select_n3A_323 = arith.select %ge3A_316, %scan3A_248, %add3A_322 : i32
      %select_n3A_324 = arith.select %ge3A_316, %select_n3A_296, %scan3A_249 : i32
      scf.yield %select_n3A_319, %select_n3A_320, %select_n3A_323, %select_n3A_324 : i32, i32, i32, i32
    }
    %le3A = vector.broadcast %scan3A_75#0 : i32 to vector<160x128xi32>
    %le3A_76 = arith.cmpi sle, %add3A, %le3A : vector<160x128xi32>
    %and3A_77 = arith.andi %and3A_43, %le3A_76 : vector<160x128xi1>
    %or3A = arith.ori %and3A_39, %and3A_77 : vector<160x128xi1>
    %le3A_78 = vector.broadcast %scan3A_75#2 : i32 to vector<160x128xi32>
    %le3A_79 = arith.cmpi sle, %add3A, %le3A_78 : vector<160x128xi32>
    %and3A_80 = arith.andi %and3A_53, %le3A_79 : vector<160x128xi1>
    %or3A_81 = arith.ori %and3A_48, %and3A_80 : vector<160x128xi1>
    %or3A_82 = arith.ori %or3A, %or3A_81 : vector<160x128xi1>
    %ge3A_83 = arith.constant 19000 : i32
    %ge3A_84 = vector.broadcast %ge3A_83 : i32 to vector<160x128xi32>
    %ge3A_85 = arith.cmpi sge, %add3A, %ge3A_84 : vector<160x128xi32>
    %and3A_86 = arith.andi %lt3A_14, %ge3A_85 : vector<160x128xi1>
    %or3A_87 = arith.ori %or3A_82, %and3A_86 : vector<160x128xi1>
    %neg3A = arith.constant 0.000000e+00 : f32
    %neg3A_88 = vector.broadcast %neg3A : f32 to vector<160x128xf32>
    %neg3A_89 = arith.subf %neg3A_88, %scan3A_8#0 : vector<160x128xf32>
    %exp3A = math.exp %neg3A_89 : vector<160x128xf32>
    %add3A_90 = arith.constant 1.000000e+00 : f32
    %add3A_91 = vector.broadcast %add3A_90 : f32 to vector<160x128xf32>
    %add3A_92 = arith.addf %add3A_91, %exp3A : vector<160x128xf32>
    %div3A = arith.constant 1.000000e+00 : f32
    %div3A_93 = vector.broadcast %div3A : f32 to vector<160x128xf32>
    %div3A_94 = arith.divf %div3A_93, %add3A_92 : vector<160x128xf32>
    %get3A_95 = arith.constant 0 : index
    %get3A_96 = arith.constant 0 : index
    %get3A_97 = vector.load %arg2[%get3A_95, %get3A_96] : memref<160x128xf32, #tpu.memory_space<vmem>>, vector<160x128xf32>
    %neg3A_98 = arith.constant 0.000000e+00 : f32
    %neg3A_99 = vector.broadcast %neg3A_98 : f32 to vector<160x128xf32>
    %neg3A_100 = arith.subf %neg3A_99, %get3A_97 : vector<160x128xf32>
    %exp3A_101 = math.exp %neg3A_100 : vector<160x128xf32>
    %add3A_102 = arith.constant 1.000000e+00 : f32
    %add3A_103 = vector.broadcast %add3A_102 : f32 to vector<160x128xf32>
    %add3A_104 = arith.addf %add3A_103, %exp3A_101 : vector<160x128xf32>
    %div3A_105 = arith.constant 1.000000e+00 : f32
    %div3A_106 = vector.broadcast %div3A_105 : f32 to vector<160x128xf32>
    %div3A_107 = arith.divf %div3A_106, %add3A_104 : vector<160x128xf32>
    %mul3A_108 = arith.mulf %div3A_94, %div3A_107 : vector<160x128xf32>
    %gt3A_109 = arith.constant 5.000000e-02 : f32
    %gt3A_110 = vector.broadcast %gt3A_109 : f32 to vector<160x128xf32>
    %gt3A_111 = arith.cmpf ogt, %mul3A_108, %gt3A_110 : vector<160x128xf32>
    %jit3A = arith.constant -1.000000e+09 : f32
    %broadcast_in_dim3A_112 = vector.broadcast %jit3A : f32 to vector<160x128xf32>
    %select_n3A = arith.select %gt3A_111, %mul3A_108, %broadcast_in_dim3A_112 : vector<160x128xi1>, vector<160x128xf32>
    %jit3A_113 = arith.constant -1.000000e+09 : f32
    %broadcast_in_dim3A_114 = vector.broadcast %jit3A_113 : f32 to vector<160x128xf32>
    %select_n3A_115 = arith.select %or3A_87, %select_n3A, %broadcast_in_dim3A_114 : vector<160x128xi1>, vector<160x128xf32>
    %get3A_116 = arith.constant 0 : index
    %get3A_117 = arith.constant 0 : index
    %get3A_118 = arith.constant 0 : index
    %get3A_119 = vector.load %arg3[%get3A_116, %get3A_117, %get3A_118] : memref<2x160x128xf32, #tpu.memory_space<vmem>>, vector<1x160x128xf32>
    %get3A_120 = vector.shape_cast %get3A_119 : vector<1x160x128xf32> to vector<160x128xf32>
    %get3A_121 = arith.constant 1 : index
    %get3A_122 = arith.constant 0 : index
    %get3A_123 = arith.constant 0 : index
    %get3A_124 = vector.load %arg3[%get3A_121, %get3A_122, %get3A_123] : memref<2x160x128xf32, #tpu.memory_space<vmem>>, vector<1x160x128xf32>
    %get3A_125 = vector.shape_cast %get3A_124 : vector<1x160x128xf32> to vector<160x128xf32>
    %get3A_126 = arith.constant 0 : index
    %get3A_127 = arith.constant 0 : index
    %get3A_128 = arith.constant 0 : index
    %get3A_129 = vector.load %arg1[%get3A_126, %get3A_127, %get3A_128] : memref<4x160x128xf32, #tpu.memory_space<vmem>>, vector<1x160x128xf32>
    %get3A_130 = vector.shape_cast %get3A_129 : vector<1x160x128xf32> to vector<160x128xf32>
    %sub3A_131 = arith.subf %get3A_120, %get3A_130 : vector<160x128xf32>
    %jit3A_132 = arith.constant 0.000000e+00 : f32
    %jit3A_133 = arith.constant 1.216000e+03 : f32
    %max3A = vector.broadcast %jit3A_132 : f32 to vector<160x128xf32>
    %max3A_134 = arith.maximumf %max3A, %sub3A_131 : vector<160x128xf32>
    %min3A = vector.broadcast %jit3A_133 : f32 to vector<160x128xf32>
    %min3A_135 = arith.minimumf %min3A, %max3A_134 : vector<160x128xf32>
    %get3A_136 = arith.constant 1 : index
    %get3A_137 = arith.constant 0 : index
    %get3A_138 = arith.constant 0 : index
    %get3A_139 = vector.load %arg1[%get3A_136, %get3A_137, %get3A_138] : memref<4x160x128xf32, #tpu.memory_space<vmem>>, vector<1x160x128xf32>
    %get3A_140 = vector.shape_cast %get3A_139 : vector<1x160x128xf32> to vector<160x128xf32>
    %sub3A_141 = arith.subf %get3A_125, %get3A_140 : vector<160x128xf32>
    %jit3A_142 = arith.constant 0.000000e+00 : f32
    %jit3A_143 = arith.constant 8.000000e+02 : f32
    %max3A_144 = vector.broadcast %jit3A_142 : f32 to vector<160x128xf32>
    %max3A_145 = arith.maximumf %max3A_144, %sub3A_141 : vector<160x128xf32>
    %min3A_146 = vector.broadcast %jit3A_143 : f32 to vector<160x128xf32>
    %min3A_147 = arith.minimumf %min3A_146, %max3A_145 : vector<160x128xf32>
    %get3A_148 = arith.constant 2 : index
    %get3A_149 = arith.constant 0 : index
    %get3A_150 = arith.constant 0 : index
    %get3A_151 = vector.load %arg1[%get3A_148, %get3A_149, %get3A_150] : memref<4x160x128xf32, #tpu.memory_space<vmem>>, vector<1x160x128xf32>
    %get3A_152 = vector.shape_cast %get3A_151 : vector<1x160x128xf32> to vector<160x128xf32>
    %add3A_153 = arith.addf %get3A_120, %get3A_152 : vector<160x128xf32>
    %jit3A_154 = arith.constant 0.000000e+00 : f32
    %jit3A_155 = arith.constant 1.216000e+03 : f32
    %max3A_156 = vector.broadcast %jit3A_154 : f32 to vector<160x128xf32>
    %max3A_157 = arith.maximumf %max3A_156, %add3A_153 : vector<160x128xf32>
    %min3A_158 = vector.broadcast %jit3A_155 : f32 to vector<160x128xf32>
    %min3A_159 = arith.minimumf %min3A_158, %max3A_157 : vector<160x128xf32>
    %get3A_160 = arith.constant 3 : index
    %get3A_161 = arith.constant 0 : index
    %get3A_162 = arith.constant 0 : index
    %get3A_163 = vector.load %arg1[%get3A_160, %get3A_161, %get3A_162] : memref<4x160x128xf32, #tpu.memory_space<vmem>>, vector<1x160x128xf32>
    %get3A_164 = vector.shape_cast %get3A_163 : vector<1x160x128xf32> to vector<160x128xf32>
    %add3A_165 = arith.addf %get3A_125, %get3A_164 : vector<160x128xf32>
    %jit3A_166 = arith.constant 0.000000e+00 : f32
    %jit3A_167 = arith.constant 8.000000e+02 : f32
    %max3A_168 = vector.broadcast %jit3A_166 : f32 to vector<160x128xf32>
    %max3A_169 = arith.maximumf %max3A_168, %add3A_165 : vector<160x128xf32>
    %min3A_170 = vector.broadcast %jit3A_167 : f32 to vector<160x128xf32>
    %min3A_171 = arith.minimumf %min3A_170, %max3A_169 : vector<160x128xf32>
    %convert_element_type3A_172 = arith.extui %or3A_87 : vector<160x128xi1> to vector<160x128xi32>
    %convert_element_type3A_173 = arith.sitofp %convert_element_type3A_172 : vector<160x128xi32> to vector<160x128xf32>
    %iota3A_174 = tpu.iota {dimensions = array<i32: 0>} : vector<128x128xi32>
    %iota3A_175 = tpu.iota {dimensions = array<i32: 1>} : vector<128x128xi32>
    %le3A_176 = arith.cmpi sle, %iota3A_174, %iota3A_175 : vector<128x128xi32>
    %convert_element_type3A_177 = arith.extui %le3A_176 : vector<128x128xi1> to vector<128x128xi32>
    %convert_element_type3A_178 = arith.sitofp %convert_element_type3A_177 : vector<128x128xi32> to vector<128x128xf32>
    %broadcast_in_dim3A_179 = arith.constant 1.000000e+00 : f32
    %broadcast_in_dim3A_180 = vector.broadcast %broadcast_in_dim3A_179 : f32 to vector<128x128xf32>
    %iota3A_181 = tpu.iota {dimensions = array<i32: 0>} : vector<160x160xi32>
    %iota3A_182 = tpu.iota {dimensions = array<i32: 1>} : vector<160x160xi32>
    %lt3A_183 = arith.cmpi slt, %iota3A_182, %iota3A_181 : vector<160x160xi32>
    %convert_element_type3A_184 = arith.extui %lt3A_183 : vector<160x160xi1> to vector<160x160xi32>
    %convert_element_type3A_185 = arith.sitofp %convert_element_type3A_184 : vector<160x160xi32> to vector<160x160xf32>
    %dot_general3A = arith.constant dense<0.000000e+00> : vector<160x128xf32>
    %dot_general3A_186 = tpu.matmul %convert_element_type3A_173, %convert_element_type3A_178, %dot_general3A {dimension_numbers = #tpu.dot_dimension_numbers<[1], [0], [0], [1], [0, 0, 1, 1], [], []>, transpose_lhs_hint = false} : vector<160x128xf32>, vector<128x128xf32>, vector<160x128xf32> -> vector<160x128xf32>
    %dot_general3A_187 = arith.constant dense<0.000000e+00> : vector<160x128xf32>
    %dot_general3A_188 = tpu.matmul %convert_element_type3A_173, %broadcast_in_dim3A_180, %dot_general3A_187 {dimension_numbers = #tpu.dot_dimension_numbers<[1], [0], [0], [1], [0, 0, 1, 1], [], []>, transpose_lhs_hint = false} : vector<160x128xf32>, vector<128x128xf32>, vector<160x128xf32> -> vector<160x128xf32>
    %dot_general3A_189 = arith.constant dense<0.000000e+00> : vector<160x128xf32>
    %dot_general3A_190 = tpu.matmul %convert_element_type3A_185, %dot_general3A_188, %dot_general3A_189 {dimension_numbers = #tpu.dot_dimension_numbers<[1], [0], [0], [1], [0, 0, 1, 1], [], []>, transpose_lhs_hint = false} : vector<160x160xf32>, vector<160x128xf32>, vector<160x128xf32> -> vector<160x128xf32>
    %sub3A_191 = arith.subf %dot_general3A_186, %convert_element_type3A_173 : vector<160x128xf32>
    %add3A_192 = arith.addf %sub3A_191, %dot_general3A_190 : vector<160x128xf32>
    %convert_element_type3A_193 = arith.fptosi %add3A_192 : vector<160x128xf32> to vector<160x128xi32>
    %jit3A_194 = arith.constant 3327 : i32
    %broadcast_in_dim3A_195 = vector.broadcast %jit3A_194 : i32 to vector<160x128xi32>
    %select_n3A_196 = arith.select %or3A_87, %convert_element_type3A_193, %broadcast_in_dim3A_195 : vector<160x128xi1>, vector<160x128xi32>
    %swap3A = arith.constant 0 : index
    %swap3A_197 = arith.constant 0 : index
    %swap3A_198 = vector.load %arg5[%swap3A, %swap3A_197] : memref<160x128xi32, #tpu.memory_space<vmem>>, vector<160x128xi32>
    tpu.vector_store %arg5[%swap3A, %swap3A_197], %select_n3A_196 {strides = array<i32>} : memref<160x128xi32, #tpu.memory_space<vmem>>, vector<160x128xi32>,
    %broadcast_in_dim3A_199 = arith.constant 0.000000e+00 : f32
    %broadcast_in_dim3A_200 = vector.broadcast %broadcast_in_dim3A_199 : f32 to vector<160x128xf32>
    %select_n3A_201 = arith.select %lt3A_14, %min3A_135, %broadcast_in_dim3A_200 : vector<160x128xi1>, vector<160x128xf32>
    %swap3A_202 = arith.constant 0 : index
    %swap3A_203 = arith.constant 0 : index
    %swap3A_204 = arith.constant 0 : index
    %swap3A_205 = vector.load %arg4[%swap3A_202, %swap3A_203, %swap3A_204] : memref<6x160x128xf32, #tpu.memory_space<vmem>>, vector<1x160x128xf32>
    %swap3A_206 = vector.shape_cast %swap3A_205 : vector<1x160x128xf32> to vector<160x128xf32>
    %swap3A_207 = vector.shape_cast %select_n3A_201 : vector<160x128xf32> to vector<1x160x128xf32>
    tpu.vector_store %arg4[%swap3A_202, %swap3A_203, %swap3A_204], %swap3A_207 {strides = array<i32>} : memref<6x160x128xf32, #tpu.memory_space<vmem>>, vector<1x160x128xf32>,
    %select_n3A_208 = arith.select %lt3A_14, %min3A_147, %broadcast_in_dim3A_200 : vector<160x128xi1>, vector<160x128xf32>
    %swap3A_209 = arith.constant 1 : index
    %swap3A_210 = arith.constant 0 : index
    %swap3A_211 = arith.constant 0 : index
    %swap3A_212 = vector.load %arg4[%swap3A_209, %swap3A_210, %swap3A_211] : memref<6x160x128xf32, #tpu.memory_space<vmem>>, vector<1x160x128xf32>
    %swap3A_213 = vector.shape_cast %swap3A_212 : vector<1x160x128xf32> to vector<160x128xf32>
    %swap3A_214 = vector.shape_cast %select_n3A_208 : vector<160x128xf32> to vector<1x160x128xf32>
    tpu.vector_store %arg4[%swap3A_209, %swap3A_210, %swap3A_211], %swap3A_214 {strides = array<i32>} : memref<6x160x128xf32, #tpu.memory_space<vmem>>, vector<1x160x128xf32>,
    %select_n3A_215 = arith.select %lt3A_14, %min3A_159, %broadcast_in_dim3A_200 : vector<160x128xi1>, vector<160x128xf32>
    %swap3A_216 = arith.constant 2 : index
    %swap3A_217 = arith.constant 0 : index
    %swap3A_218 = arith.constant 0 : index
    %swap3A_219 = vector.load %arg4[%swap3A_216, %swap3A_217, %swap3A_218] : memref<6x160x128xf32, #tpu.memory_space<vmem>>, vector<1x160x128xf32>
    %swap3A_220 = vector.shape_cast %swap3A_219 : vector<1x160x128xf32> to vector<160x128xf32>
    %swap3A_221 = vector.shape_cast %select_n3A_215 : vector<160x128xf32> to vector<1x160x128xf32>
    tpu.vector_store %arg4[%swap3A_216, %swap3A_217, %swap3A_218], %swap3A_221 {strides = array<i32>} : memref<6x160x128xf32, #tpu.memory_space<vmem>>, vector<1x160x128xf32>,
    %select_n3A_222 = arith.select %lt3A_14, %min3A_171, %broadcast_in_dim3A_200 : vector<160x128xi1>, vector<160x128xf32>
    %swap3A_223 = arith.constant 3 : index
    %swap3A_224 = arith.constant 0 : index
    %swap3A_225 = arith.constant 0 : index
    %swap3A_226 = vector.load %arg4[%swap3A_223, %swap3A_224, %swap3A_225] : memref<6x160x128xf32, #tpu.memory_space<vmem>>, vector<1x160x128xf32>
    %swap3A_227 = vector.shape_cast %swap3A_226 : vector<1x160x128xf32> to vector<160x128xf32>
    %swap3A_228 = vector.shape_cast %select_n3A_222 : vector<160x128xf32> to vector<1x160x128xf32>
    tpu.vector_store %arg4[%swap3A_223, %swap3A_224, %swap3A_225], %swap3A_228 {strides = array<i32>} : memref<6x160x128xf32, #tpu.memory_space<vmem>>, vector<1x160x128xf32>,
    %jit3A_229 = arith.constant -1.000000e+09 : f32
    %broadcast_in_dim3A_230 = vector.broadcast %jit3A_229 : f32 to vector<160x128xf32>
    %select_n3A_231 = arith.select %lt3A_14, %select_n3A_115, %broadcast_in_dim3A_230 : vector<160x128xi1>, vector<160x128xf32>
    %swap3A_232 = arith.constant 4 : index
    %swap3A_233 = arith.constant 0 : index
    %swap3A_234 = arith.constant 0 : index
    %swap3A_235 = vector.load %arg4[%swap3A_232, %swap3A_233, %swap3A_234] : memref<6x160x128xf32, #tpu.memory_space<vmem>>, vector<1x160x128xf32>
    %swap3A_236 = vector.shape_cast %swap3A_235 : vector<1x160x128xf32> to vector<160x128xf32>
    %swap3A_237 = vector.shape_cast %select_n3A_231 : vector<160x128xf32> to vector<1x160x128xf32>
    tpu.vector_store %arg4[%swap3A_232, %swap3A_233, %swap3A_234], %swap3A_237 {strides = array<i32>} : memref<6x160x128xf32, #tpu.memory_space<vmem>>, vector<1x160x128xf32>,
    %select_n3A_238 = arith.select %lt3A_14, %scan3A_8#1, %broadcast_in_dim3A_200 : vector<160x128xi1>, vector<160x128xf32>
    %swap3A_239 = arith.constant 5 : index
    %swap3A_240 = arith.constant 0 : index
    %swap3A_241 = arith.constant 0 : index
    %swap3A_242 = vector.load %arg4[%swap3A_239, %swap3A_240, %swap3A_241] : memref<6x160x128xf32, #tpu.memory_space<vmem>>, vector<1x160x128xf32>
    %swap3A_243 = vector.shape_cast %swap3A_242 : vector<1x160x128xf32> to vector<160x128xf32>
    %swap3A_244 = vector.shape_cast %select_n3A_238 : vector<160x128xf32> to vector<1x160x128xf32>
    tpu.vector_store %arg4[%swap3A_239, %swap3A_240, %swap3A_241], %swap3A_244 {strides = array<i32>} : memref<6x160x128xf32, #tpu.memory_space<vmem>>, vector<1x160x128xf32>,
    return
  }
}

module attributes {stable_mosaic.version = 14 : i64} {
  func.func @_nms_kernel(%arg0: memref<6x26x128xf32, #tpu.memory_space<vmem>>, %arg1: memref<100x128xf32, #tpu.memory_space<vmem>>) attributes {dimension_semantics = [], scalar_prefetch = 0 : i64, scratch_operands = 0 : i64, tpu.core_type = #tpu.core_type<tc>} {
    %iota3A = tpu.iota {dimensions = array<i32: 0>} : vector<26x128xi32>
    %mul3A = arith.constant 128 : i32
    %mul3A_0 = vector.broadcast %mul3A : i32 to vector<26x128xi32>
    %mul3A_1 = arith.muli %iota3A, %mul3A_0 : vector<26x128xi32>
    %iota3A_2 = tpu.iota {dimensions = array<i32: 1>} : vector<26x128xi32>
    %add3A = arith.addi %mul3A_1, %iota3A_2 : vector<26x128xi32>
    %get3A = arith.constant 0 : index
    %get3A_3 = arith.constant 0 : index
    %get3A_4 = arith.constant 0 : index
    %get3A_5 = vector.load %arg0[%get3A, %get3A_3, %get3A_4] : memref<6x26x128xf32, #tpu.memory_space<vmem>>, vector<1x26x128xf32>
    %get3A_6 = vector.shape_cast %get3A_5 : vector<1x26x128xf32> to vector<26x128xf32>
    %get3A_7 = arith.constant 1 : index
    %get3A_8 = arith.constant 0 : index
    %get3A_9 = arith.constant 0 : index
    %get3A_10 = vector.load %arg0[%get3A_7, %get3A_8, %get3A_9] : memref<6x26x128xf32, #tpu.memory_space<vmem>>, vector<1x26x128xf32>
    %get3A_11 = vector.shape_cast %get3A_10 : vector<1x26x128xf32> to vector<26x128xf32>
    %get3A_12 = arith.constant 2 : index
    %get3A_13 = arith.constant 0 : index
    %get3A_14 = arith.constant 0 : index
    %get3A_15 = vector.load %arg0[%get3A_12, %get3A_13, %get3A_14] : memref<6x26x128xf32, #tpu.memory_space<vmem>>, vector<1x26x128xf32>
    %get3A_16 = vector.shape_cast %get3A_15 : vector<1x26x128xf32> to vector<26x128xf32>
    %get3A_17 = arith.constant 3 : index
    %get3A_18 = arith.constant 0 : index
    %get3A_19 = arith.constant 0 : index
    %get3A_20 = vector.load %arg0[%get3A_17, %get3A_18, %get3A_19] : memref<6x26x128xf32, #tpu.memory_space<vmem>>, vector<1x26x128xf32>
    %get3A_21 = vector.shape_cast %get3A_20 : vector<1x26x128xf32> to vector<26x128xf32>
    %lt3A = arith.constant 3267 : i32
    %lt3A_22 = vector.broadcast %lt3A : i32 to vector<26x128xi32>
    %lt3A_23 = arith.cmpi slt, %add3A, %lt3A_22 : vector<26x128xi32>
    %get3A_24 = arith.constant 4 : index
    %get3A_25 = arith.constant 0 : index
    %get3A_26 = arith.constant 0 : index
    %get3A_27 = vector.load %arg0[%get3A_24, %get3A_25, %get3A_26] : memref<6x26x128xf32, #tpu.memory_space<vmem>>, vector<1x26x128xf32>
    %get3A_28 = vector.shape_cast %get3A_27 : vector<1x26x128xf32> to vector<26x128xf32>
    %jit3A = arith.constant -1.000000e+09 : f32
    %broadcast_in_dim3A = vector.broadcast %jit3A : f32 to vector<26x128xf32>
    %select_n3A = arith.select %lt3A_23, %get3A_28, %broadcast_in_dim3A : vector<26x128xi1>, vector<26x128xf32>
    %get3A_29 = arith.constant 5 : index
    %get3A_30 = arith.constant 0 : index
    %get3A_31 = arith.constant 0 : index
    %get3A_32 = vector.load %arg0[%get3A_29, %get3A_30, %get3A_31] : memref<6x26x128xf32, #tpu.memory_space<vmem>>, vector<1x26x128xf32>
    %get3A_33 = vector.shape_cast %get3A_32 : vector<1x26x128xf32> to vector<26x128xf32>
    %sub3A = arith.subf %get3A_16, %get3A_6 : vector<26x128xf32>
    %sub3A_34 = arith.subf %get3A_21, %get3A_11 : vector<26x128xf32>
    %mul3A_35 = arith.mulf %sub3A, %sub3A_34 : vector<26x128xf32>
    %iota3A_36 = tpu.iota {dimensions = array<i32: 1>} : vector<1x128xi32>
    %scan3A = arith.constant 0 : i32
    %scan3A_37 = arith.constant 100 : i32
    %scan3A_38 = arith.addi %scan3A, %scan3A_37 : i32
    %scan3A_39 = arith.constant 1 : i32
    %scan3A_40 = scf.for %scan3A_42 = %scan3A to %scan3A_38 step %scan3A_39 iter_args(%scan3A_43 = %select_n3A) -> (vector<26x128xf32>)  : i32 {
      %reduce_max3A = arith.constant dense<0xFF800000> : vector<128xf32>
      %reduce_max3A_44 = vector.multi_reduction <maximumf>, %scan3A_43, %reduce_max3A [0] : vector<26x128xf32> to vector<128xf32>
      %broadcast_in_dim3A_45 = vector.shape_cast %reduce_max3A_44 : vector<128xf32> to vector<1x128xf32>
      %reduce_max3A_46 = arith.constant dense<0xFF800000> : vector<1xf32>
      %reduce_max3A_47 = vector.multi_reduction <maximumf>, %broadcast_in_dim3A_45, %reduce_max3A_46 [1] : vector<1x128xf32> to vector<1xf32>
      %broadcast_in_dim3A_48 = vector.shape_cast %reduce_max3A_47 : vector<1xf32> to vector<1x1xf32>
      %broadcast_in_dim3A_49 = vector.shape_cast %broadcast_in_dim3A_48 : vector<1x1xf32> to vector<1x1xf32>
      %broadcast_in_dim3A_50 = vector.broadcast %broadcast_in_dim3A_49 : vector<1x1xf32> to vector<26x128xf32>
      %eq3A = arith.cmpf oeq, %scan3A_43, %broadcast_in_dim3A_50 : vector<26x128xf32>
      %jit3A_51 = arith.constant 3328 : i32
      %broadcast_in_dim3A_52 = vector.broadcast %jit3A_51 : i32 to vector<26x128xi32>
      %select_n3A_53 = arith.select %eq3A, %add3A, %broadcast_in_dim3A_52 : vector<26x128xi1>, vector<26x128xi32>
      %reduce_min3A = arith.constant dense<2147483647> : vector<128xi32>
      %reduce_min3A_54 = vector.multi_reduction <minsi>, %select_n3A_53, %reduce_min3A [0] : vector<26x128xi32> to vector<128xi32>
      %broadcast_in_dim3A_55 = vector.shape_cast %reduce_min3A_54 : vector<128xi32> to vector<1x128xi32>
      %reduce_min3A_56 = arith.constant dense<2147483647> : vector<1xi32>
      %reduce_min3A_57 = vector.multi_reduction <minsi>, %broadcast_in_dim3A_55, %reduce_min3A_56 [1] : vector<1x128xi32> to vector<1xi32>
      %broadcast_in_dim3A_58 = vector.shape_cast %reduce_min3A_57 : vector<1xi32> to vector<1x1xi32>
      %jit3A_59 = arith.constant 128 : i32
      %div3A = vector.broadcast %jit3A_59 : i32 to vector<1x1xi32>
      %div3A_60 = arith.divsi %broadcast_in_dim3A_58, %div3A : vector<1x1xi32>
      %sign3A = arith.constant 0 : i32
      %sign3A_61 = vector.broadcast %sign3A : i32 to vector<1x1xi32>
      %sign3A_62 = arith.cmpi sgt, %broadcast_in_dim3A_58, %sign3A_61 : vector<1x1xi32>
      %sign3A_63 = arith.extui %sign3A_62 : vector<1x1xi1> to vector<1x1xi32>
      %sign3A_64 = arith.constant 0 : i32
      %sign3A_65 = vector.broadcast %sign3A_64 : i32 to vector<1x1xi32>
      %sign3A_66 = arith.cmpi slt, %broadcast_in_dim3A_58, %sign3A_65 : vector<1x1xi32>
      %sign3A_67 = arith.extui %sign3A_66 : vector<1x1xi1> to vector<1x1xi32>
      %sign3A_68 = arith.subi %sign3A_63, %sign3A_67 : vector<1x1xi32>
      %sign3A_69 = arith.constant 0 : i32
      %sign3A_70 = arith.cmpi sgt, %jit3A_59, %sign3A_69 : i32
      %sign3A_71 = arith.extui %sign3A_70 : i1 to i32
      %sign3A_72 = arith.constant 0 : i32
      %sign3A_73 = arith.cmpi slt, %jit3A_59, %sign3A_72 : i32
      %sign3A_74 = arith.extui %sign3A_73 : i1 to i32
      %sign3A_75 = arith.subi %sign3A_71, %sign3A_74 : i32
      %ne3A = vector.broadcast %sign3A_75 : i32 to vector<1x1xi32>
      %ne3A_76 = arith.cmpi ne, %sign3A_68, %ne3A : vector<1x1xi32>
      %rem3A = vector.broadcast %jit3A_59 : i32 to vector<1x1xi32>
      %rem3A_77 = arith.remsi %broadcast_in_dim3A_58, %rem3A : vector<1x1xi32>
      %ne3A_78 = arith.constant 0 : i32
      %ne3A_79 = vector.broadcast %ne3A_78 : i32 to vector<1x1xi32>
      %ne3A_80 = arith.cmpi ne, %rem3A_77, %ne3A_79 : vector<1x1xi32>
      %and3A = arith.andi %ne3A_76, %ne3A_80 : vector<1x1xi1>
      %sub3A_81 = arith.constant 1 : i32
      %sub3A_82 = vector.broadcast %sub3A_81 : i32 to vector<1x1xi32>
      %sub3A_83 = arith.subi %div3A_60, %sub3A_82 : vector<1x1xi32>
      %select_n3A_84 = arith.select %and3A, %sub3A_83, %div3A_60 : vector<1x1xi1>, vector<1x1xi32>
      %squeeze3A = vector.extract %select_n3A_84[0, 0] : i32 from vector<1x1xi32>
      %jit3A_85 = arith.constant 128 : i32
      %eq3A_86 = arith.constant 0 : i32
      %eq3A_87 = arith.cmpi eq, %jit3A_85, %eq3A_86 : i32
      %jit3A_88 = arith.constant 1 : i32
      %select_n3A_89 = arith.select %eq3A_87, %jit3A_88, %jit3A_85 : i32
      %rem3A_90 = vector.broadcast %select_n3A_89 : i32 to vector<1x1xi32>
      %rem3A_91 = arith.remsi %broadcast_in_dim3A_58, %rem3A_90 : vector<1x1xi32>
      %ne3A_92 = arith.constant 0 : i32
      %ne3A_93 = vector.broadcast %ne3A_92 : i32 to vector<1x1xi32>
      %ne3A_94 = arith.cmpi ne, %rem3A_91, %ne3A_93 : vector<1x1xi32>
      %lt3A_95 = arith.constant 0 : i32
      %lt3A_96 = vector.broadcast %lt3A_95 : i32 to vector<1x1xi32>
      %lt3A_97 = arith.cmpi slt, %rem3A_91, %lt3A_96 : vector<1x1xi32>
      %lt3A_98 = arith.constant 0 : i32
      %lt3A_99 = arith.cmpi slt, %select_n3A_89, %lt3A_98 : i32
      %ne3A_100 = vector.broadcast %lt3A_99 : i1 to vector<1x1xi1>
      %ne3A_101 = vector.broadcast %ne3A_100 : vector<1x1xi1> to vector<1x1xi1>
      %ne3A_102 = arith.xori %lt3A_97, %ne3A_101 : vector<1x1xi1>
      %and3A_103 = arith.andi %ne3A_102, %ne3A_94 : vector<1x1xi1>
      %add3A_104 = vector.broadcast %select_n3A_89 : i32 to vector<1x1xi32>
      %add3A_105 = arith.addi %rem3A_91, %add3A_104 : vector<1x1xi32>
      %select_n3A_106 = arith.select %and3A_103, %add3A_105, %rem3A_91 : vector<1x1xi1>, vector<1x1xi32>
      %broadcast_in_dim3A_107 = vector.shape_cast %select_n3A_106 : vector<1x1xi32> to vector<1x1xi32>
      %broadcast_in_dim3A_108 = vector.broadcast %broadcast_in_dim3A_107 : vector<1x1xi32> to vector<1x128xi32>
      %eq3A_109 = arith.cmpi eq, %iota3A_36, %broadcast_in_dim3A_108 : vector<1x128xi32>
      %convert_element_type3A = arith.extui %eq3A_109 : vector<1x128xi1> to vector<1x128xi32>
      %convert_element_type3A_110 = arith.sitofp %convert_element_type3A : vector<1x128xi32> to vector<1x128xf32>
      %get3A_111 = arith.constant 0 : index
      %get3A_112 = arith.index_cast %squeeze3A : i32 to index
      %get3A_113 = arith.constant 0 : index
      %get3A_114 = vector.load %arg0[%get3A_111, %get3A_112, %get3A_113] : memref<6x26x128xf32, #tpu.memory_space<vmem>>, vector<1x1x128xf32>
      %get3A_115 = vector.shape_cast %get3A_114 : vector<1x1x128xf32> to vector<1x128xf32>
      %mul3A_116 = arith.mulf %get3A_115, %convert_element_type3A_110 : vector<1x128xf32>
      %reduce_sum3A = arith.constant dense<0.000000e+00> : vector<1xf32>
      %reduce_sum3A_117 = vector.multi_reduction <add>, %mul3A_116, %reduce_sum3A [1] : vector<1x128xf32> to vector<1xf32>
      %broadcast_in_dim3A_118 = vector.shape_cast %reduce_sum3A_117 : vector<1xf32> to vector<1x1xf32>
      %get3A_119 = arith.constant 1 : index
      %get3A_120 = arith.index_cast %squeeze3A : i32 to index
      %get3A_121 = arith.constant 0 : index
      %get3A_122 = vector.load %arg0[%get3A_119, %get3A_120, %get3A_121] : memref<6x26x128xf32, #tpu.memory_space<vmem>>, vector<1x1x128xf32>
      %get3A_123 = vector.shape_cast %get3A_122 : vector<1x1x128xf32> to vector<1x128xf32>
      %mul3A_124 = arith.mulf %get3A_123, %convert_element_type3A_110 : vector<1x128xf32>
      %reduce_sum3A_125 = arith.constant dense<0.000000e+00> : vector<1xf32>
      %reduce_sum3A_126 = vector.multi_reduction <add>, %mul3A_124, %reduce_sum3A_125 [1] : vector<1x128xf32> to vector<1xf32>
      %broadcast_in_dim3A_127 = vector.shape_cast %reduce_sum3A_126 : vector<1xf32> to vector<1x1xf32>
      %get3A_128 = arith.constant 2 : index
      %get3A_129 = arith.index_cast %squeeze3A : i32 to index
      %get3A_130 = arith.constant 0 : index
      %get3A_131 = vector.load %arg0[%get3A_128, %get3A_129, %get3A_130] : memref<6x26x128xf32, #tpu.memory_space<vmem>>, vector<1x1x128xf32>
      %get3A_132 = vector.shape_cast %get3A_131 : vector<1x1x128xf32> to vector<1x128xf32>
      %mul3A_133 = arith.mulf %get3A_132, %convert_element_type3A_110 : vector<1x128xf32>
      %reduce_sum3A_134 = arith.constant dense<0.000000e+00> : vector<1xf32>
      %reduce_sum3A_135 = vector.multi_reduction <add>, %mul3A_133, %reduce_sum3A_134 [1] : vector<1x128xf32> to vector<1xf32>
      %broadcast_in_dim3A_136 = vector.shape_cast %reduce_sum3A_135 : vector<1xf32> to vector<1x1xf32>
      %get3A_137 = arith.constant 3 : index
      %get3A_138 = arith.index_cast %squeeze3A : i32 to index
      %get3A_139 = arith.constant 0 : index
      %get3A_140 = vector.load %arg0[%get3A_137, %get3A_138, %get3A_139] : memref<6x26x128xf32, #tpu.memory_space<vmem>>, vector<1x1x128xf32>
      %get3A_141 = vector.shape_cast %get3A_140 : vector<1x1x128xf32> to vector<1x128xf32>
      %mul3A_142 = arith.mulf %get3A_141, %convert_element_type3A_110 : vector<1x128xf32>
      %reduce_sum3A_143 = arith.constant dense<0.000000e+00> : vector<1xf32>
      %reduce_sum3A_144 = vector.multi_reduction <add>, %mul3A_142, %reduce_sum3A_143 [1] : vector<1x128xf32> to vector<1xf32>
      %broadcast_in_dim3A_145 = vector.shape_cast %reduce_sum3A_144 : vector<1xf32> to vector<1x1xf32>
      %get3A_146 = arith.constant 5 : index
      %get3A_147 = arith.index_cast %squeeze3A : i32 to index
      %get3A_148 = arith.constant 0 : index
      %get3A_149 = vector.load %arg0[%get3A_146, %get3A_147, %get3A_148] : memref<6x26x128xf32, #tpu.memory_space<vmem>>, vector<1x1x128xf32>
      %get3A_150 = vector.shape_cast %get3A_149 : vector<1x1x128xf32> to vector<1x128xf32>
      %mul3A_151 = arith.mulf %get3A_150, %convert_element_type3A_110 : vector<1x128xf32>
      %reduce_sum3A_152 = arith.constant dense<0.000000e+00> : vector<1xf32>
      %reduce_sum3A_153 = vector.multi_reduction <add>, %mul3A_151, %reduce_sum3A_152 [1] : vector<1x128xf32> to vector<1xf32>
      %broadcast_in_dim3A_154 = vector.shape_cast %reduce_sum3A_153 : vector<1xf32> to vector<1x1xf32>
      %sub3A_155 = arith.subf %broadcast_in_dim3A_136, %broadcast_in_dim3A_118 : vector<1x1xf32>
      %sub3A_156 = arith.subf %broadcast_in_dim3A_145, %broadcast_in_dim3A_127 : vector<1x1xf32>
      %mul3A_157 = arith.mulf %sub3A_155, %sub3A_156 : vector<1x1xf32>
      %max3A = vector.broadcast %broadcast_in_dim3A_118 : vector<1x1xf32> to vector<26x128xf32>
      %max3A_158 = arith.maximumf %max3A, %get3A_6 : vector<26x128xf32>
      %max3A_159 = vector.broadcast %broadcast_in_dim3A_127 : vector<1x1xf32> to vector<26x128xf32>
      %max3A_160 = arith.maximumf %max3A_159, %get3A_11 : vector<26x128xf32>
      %min3A = vector.broadcast %broadcast_in_dim3A_136 : vector<1x1xf32> to vector<26x128xf32>
      %min3A_161 = arith.minimumf %min3A, %get3A_16 : vector<26x128xf32>
      %min3A_162 = vector.broadcast %broadcast_in_dim3A_145 : vector<1x1xf32> to vector<26x128xf32>
      %min3A_163 = arith.minimumf %min3A_162, %get3A_21 : vector<26x128xf32>
      %sub3A_164 = arith.subf %min3A_161, %max3A_158 : vector<26x128xf32>
      %max3A_165 = arith.constant 0.000000e+00 : f32
      %max3A_166 = vector.broadcast %max3A_165 : f32 to vector<26x128xf32>
      %max3A_167 = arith.maximumf %sub3A_164, %max3A_166 : vector<26x128xf32>
      %sub3A_168 = arith.subf %min3A_163, %max3A_160 : vector<26x128xf32>
      %max3A_169 = arith.constant 0.000000e+00 : f32
      %max3A_170 = vector.broadcast %max3A_169 : f32 to vector<26x128xf32>
      %max3A_171 = arith.maximumf %sub3A_168, %max3A_170 : vector<26x128xf32>
      %mul3A_172 = arith.mulf %max3A_167, %max3A_171 : vector<26x128xf32>
      %add3A_173 = vector.broadcast %mul3A_157 : vector<1x1xf32> to vector<26x128xf32>
      %add3A_174 = arith.addf %add3A_173, %mul3A_35 : vector<26x128xf32>
      %sub3A_175 = arith.subf %add3A_174, %mul3A_172 : vector<26x128xf32>
      %add3A_176 = arith.constant 9.99999997E-7 : f32
      %add3A_177 = vector.broadcast %add3A_176 : f32 to vector<26x128xf32>
      %add3A_178 = arith.addf %sub3A_175, %add3A_177 : vector<26x128xf32>
      %div3A_179 = arith.divf %mul3A_172, %add3A_178 : vector<26x128xf32>
      %gt3A = arith.constant 5.000000e-01 : f32
      %gt3A_180 = vector.broadcast %gt3A : f32 to vector<26x128xf32>
      %gt3A_181 = arith.cmpf ogt, %div3A_179, %gt3A_180 : vector<26x128xf32>
      %eq3A_182 = vector.broadcast %broadcast_in_dim3A_154 : vector<1x1xf32> to vector<26x128xf32>
      %eq3A_183 = arith.cmpf oeq, %get3A_33, %eq3A_182 : vector<26x128xf32>
      %and3A_184 = arith.andi %gt3A_181, %eq3A_183 : vector<26x128xi1>
      %broadcast_in_dim3A_185 = vector.shape_cast %broadcast_in_dim3A_48 : vector<1x1xf32> to vector<1x1xf32>
      %broadcast_in_dim3A_186 = vector.broadcast %broadcast_in_dim3A_185 : vector<1x1xf32> to vector<1x128xf32>
      %eq3A_187 = arith.constant 0 : i32
      %eq3A_188 = vector.broadcast %eq3A_187 : i32 to vector<1x128xi32>
      %eq3A_189 = arith.cmpi eq, %iota3A_36, %eq3A_188 : vector<1x128xi32>
      %jit3A_190 = arith.constant 0.000000e+00 : f32
      %broadcast_in_dim3A_191 = vector.shape_cast %broadcast_in_dim3A_118 : vector<1x1xf32> to vector<1x1xf32>
      %broadcast_in_dim3A_192 = vector.broadcast %broadcast_in_dim3A_191 : vector<1x1xf32> to vector<1x128xf32>
      %broadcast_in_dim3A_193 = vector.broadcast %jit3A_190 : f32 to vector<1x128xf32>
      %select_n3A_194 = arith.select %eq3A_189, %broadcast_in_dim3A_192, %broadcast_in_dim3A_193 : vector<1x128xi1>, vector<1x128xf32>
      %eq3A_195 = arith.constant 1 : i32
      %eq3A_196 = vector.broadcast %eq3A_195 : i32 to vector<1x128xi32>
      %eq3A_197 = arith.cmpi eq, %iota3A_36, %eq3A_196 : vector<1x128xi32>
      %jit3A_198 = arith.constant 0.000000e+00 : f32
      %broadcast_in_dim3A_199 = vector.shape_cast %broadcast_in_dim3A_127 : vector<1x1xf32> to vector<1x1xf32>
      %broadcast_in_dim3A_200 = vector.broadcast %broadcast_in_dim3A_199 : vector<1x1xf32> to vector<1x128xf32>
      %broadcast_in_dim3A_201 = vector.broadcast %jit3A_198 : f32 to vector<1x128xf32>
      %select_n3A_202 = arith.select %eq3A_197, %broadcast_in_dim3A_200, %broadcast_in_dim3A_201 : vector<1x128xi1>, vector<1x128xf32>
      %add3A_203 = arith.addf %select_n3A_194, %select_n3A_202 : vector<1x128xf32>
      %eq3A_204 = arith.constant 2 : i32
      %eq3A_205 = vector.broadcast %eq3A_204 : i32 to vector<1x128xi32>
      %eq3A_206 = arith.cmpi eq, %iota3A_36, %eq3A_205 : vector<1x128xi32>
      %jit3A_207 = arith.constant 0.000000e+00 : f32
      %broadcast_in_dim3A_208 = vector.shape_cast %broadcast_in_dim3A_136 : vector<1x1xf32> to vector<1x1xf32>
      %broadcast_in_dim3A_209 = vector.broadcast %broadcast_in_dim3A_208 : vector<1x1xf32> to vector<1x128xf32>
      %broadcast_in_dim3A_210 = vector.broadcast %jit3A_207 : f32 to vector<1x128xf32>
      %select_n3A_211 = arith.select %eq3A_206, %broadcast_in_dim3A_209, %broadcast_in_dim3A_210 : vector<1x128xi1>, vector<1x128xf32>
      %add3A_212 = arith.addf %add3A_203, %select_n3A_211 : vector<1x128xf32>
      %eq3A_213 = arith.constant 3 : i32
      %eq3A_214 = vector.broadcast %eq3A_213 : i32 to vector<1x128xi32>
      %eq3A_215 = arith.cmpi eq, %iota3A_36, %eq3A_214 : vector<1x128xi32>
      %jit3A_216 = arith.constant 0.000000e+00 : f32
      %broadcast_in_dim3A_217 = vector.shape_cast %broadcast_in_dim3A_145 : vector<1x1xf32> to vector<1x1xf32>
      %broadcast_in_dim3A_218 = vector.broadcast %broadcast_in_dim3A_217 : vector<1x1xf32> to vector<1x128xf32>
      %broadcast_in_dim3A_219 = vector.broadcast %jit3A_216 : f32 to vector<1x128xf32>
      %select_n3A_220 = arith.select %eq3A_215, %broadcast_in_dim3A_218, %broadcast_in_dim3A_219 : vector<1x128xi1>, vector<1x128xf32>
      %add3A_221 = arith.addf %add3A_212, %select_n3A_220 : vector<1x128xf32>
      %eq3A_222 = arith.constant 4 : i32
      %eq3A_223 = vector.broadcast %eq3A_222 : i32 to vector<1x128xi32>
      %eq3A_224 = arith.cmpi eq, %iota3A_36, %eq3A_223 : vector<1x128xi32>
      %jit3A_225 = arith.constant 0.000000e+00 : f32
      %broadcast_in_dim3A_226 = vector.broadcast %jit3A_225 : f32 to vector<1x128xf32>
      %select_n3A_227 = arith.select %eq3A_224, %broadcast_in_dim3A_186, %broadcast_in_dim3A_226 : vector<1x128xi1>, vector<1x128xf32>
      %add3A_228 = arith.addf %add3A_221, %select_n3A_227 : vector<1x128xf32>
      %eq3A_229 = arith.constant 5 : i32
      %eq3A_230 = vector.broadcast %eq3A_229 : i32 to vector<1x128xi32>
      %eq3A_231 = arith.cmpi eq, %iota3A_36, %eq3A_230 : vector<1x128xi32>
      %jit3A_232 = arith.constant 0.000000e+00 : f32
      %broadcast_in_dim3A_233 = vector.shape_cast %broadcast_in_dim3A_154 : vector<1x1xf32> to vector<1x1xf32>
      %broadcast_in_dim3A_234 = vector.broadcast %broadcast_in_dim3A_233 : vector<1x1xf32> to vector<1x128xf32>
      %broadcast_in_dim3A_235 = vector.broadcast %jit3A_232 : f32 to vector<1x128xf32>
      %select_n3A_236 = arith.select %eq3A_231, %broadcast_in_dim3A_234, %broadcast_in_dim3A_235 : vector<1x128xi1>, vector<1x128xf32>
      %add3A_237 = arith.addf %add3A_228, %select_n3A_236 : vector<1x128xf32>
      %gt3A_238 = arith.constant 0.000000e+00 : f32
      %gt3A_239 = vector.broadcast %gt3A_238 : f32 to vector<1x128xf32>
      %gt3A_240 = arith.cmpf ogt, %broadcast_in_dim3A_186, %gt3A_239 : vector<1x128xf32>
      %jit3A_241 = arith.constant 0.000000e+00 : f32
      %broadcast_in_dim3A_242 = vector.broadcast %jit3A_241 : f32 to vector<1x128xf32>
      %select_n3A_243 = arith.select %gt3A_240, %add3A_237, %broadcast_in_dim3A_242 : vector<1x128xi1>, vector<1x128xf32>
      %swap3A = arith.index_cast %scan3A_42 : i32 to index
      %swap3A_244 = arith.constant 0 : index
      %swap3A_245 = vector.load %arg1[%swap3A, %swap3A_244] : memref<100x128xf32, #tpu.memory_space<vmem>>, vector<1x128xf32>
      tpu.vector_store %arg1[%swap3A, %swap3A_244], %select_n3A_243 {strides = array<i32>} : memref<100x128xf32, #tpu.memory_space<vmem>>, vector<1x128xf32>,
      %broadcast_in_dim3A_246 = vector.shape_cast %broadcast_in_dim3A_58 : vector<1x1xi32> to vector<1x1xi32>
      %broadcast_in_dim3A_247 = vector.broadcast %broadcast_in_dim3A_246 : vector<1x1xi32> to vector<26x128xi32>
      %eq3A_248 = arith.cmpi eq, %add3A, %broadcast_in_dim3A_247 : vector<26x128xi32>
      %or3A = arith.ori %and3A_184, %eq3A_248 : vector<26x128xi1>
      %jit3A_249 = arith.constant -1.000000e+09 : f32
      %broadcast_in_dim3A_250 = vector.broadcast %jit3A_249 : f32 to vector<26x128xf32>
      %select_n3A_251 = arith.select %or3A, %broadcast_in_dim3A_250, %scan3A_43 : vector<26x128xi1>, vector<26x128xf32>
      scf.yield %select_n3A_251 : vector<26x128xf32>
    }
    %scan3A_41 = arith.constant 100 : i32
    return
  }
}

</mosaic_0001>

<sc_bundles>
// kernel: kernel.5.cloned.1.call-start
scs
__scs_entry_jumppad:
0x0: {  	(pc) =	sbr.rel $0x88, $3  }
0x1: {  	(tag) =	ssettag $0x0;
	lr =	simm.s32 $0x1  }
0x2: {  	[smem:$0x3F9D] =	sst lr;
	_ =	strace $0xD0000000  }
0x3: {  	_ = 	snop  }
0x4: {  	_ = 	snop  }
0x5: {  	_ = 	snop  }
0x6: {  	_ = 	snop  }
0x7: {  	_ = 	snop  }
__scs_overlays_trampoline_lowered:
0x8: {  	[smem:$0x3FAC] =	sst s0  }
0x9: {  	[smem:$0x3FAD] =	sst s1  }
0xa: {  	[smem:$0x3FAE] =	sst s2  }
0xb: {  	[smem:$0x3FAF] =	sst s3  }
0xc: {  	[smem:$0x3FB0] =	sst s4  }
0xd: {  	[smem:$0x3FB1] =	sst s5  }
0xe: {  	[smem:$0x3FB2] =	sst s6  }
0xf: {  	[smem:$0x3FB3] =	sst s7  }
0x10: {  	[smem:$0x3FB4] =	sst s8  }
0x11: {  	[smem:$0x3FB5] =	sst s9;
	s0 =	simm.s32 @!p0 $0x0  }
0x12: {  	s1 =	sld [smem:$0x3F9B];
	s0 =	simm.s32 @p0 $0x1  }
0x13: {  	[smem:$0x3FB6] =	sst s0;
	s0 =	simm.s32 @!p1 $0x0  }
0x14: {  	s2 =	sld [smem:$0x3F9A];
	s0 =	simm.s32 @p1 $0x1  }
0x15: {  	[smem:$0x3FB7] =	sst s0;
	s0 =	simm.s32 @!p2 $0x0  }
0x16: {  	s3 =	sld [smem:$0x3FDB];
	s0 =	simm.s32 @p2 $0x1  }
0x17: {  	s4 =	simm.s32 $0x1BF5;
	[smem:$0x3FB9] =	sst s0  }
0x18: {  	s0 =	sld [smem:$0x3F9C];
	_ =	swait.ge [sflag:s4], $0x0  }
0x19: {  	s7 =	sld [smem:$0x3F9D]  }
0x1a: {  	s8 =	sadd.s32 $0xFFFFE003, lr  }
0x1b: {  	s9 =	sadd.s32 $0xFFFFFEF7, lr;
	s5 =	simm.s32 $0xFFFFFFFF;
	p2 =	slt.u32 s8, $0xFFFFF086  }
0x1c: {  	p1 =	slt.u32 s9, $0xF7A;
	s5 =	simm.s32 @!p2 $0x0  }
0x1d: {  	s5 =	simm.s32 @p1 $0x1;
	p0 =	seq.s32 s7, s2  }
0x1e: {  	s7 =	smul.u32 @!p0 $0xF7A, s2;
	p2 =	seq.s32 @!p0 s5, $0x0  }
0x1f: {  	s9 =	smul.u32 $0xF7A, s1;
	s8 =	simm.s32 @!p0 $0x1BF5;
	p2 =	por !p2, p0  }
0x20: {  	[sflag:s8] =	ssyncset.s32 @!p0 $0xFFFFF086;
	s6 =	sadd.s32 @!p0 s3, s7;
	s7 =	simm.s32 @!p0 $0x108  }
0x21: {  	s3 =	sadd.s32 s3, s9;
	s6 =	sadd.s32 @!p0 $0x88, s6;
	s7 =	simm.s32 @p2 $0x1082  }
0x22: {  	[simem:s7], [sflag:s8] =	dma.local @!p0 [hbm:s6], $0xF7A  }
0x23: {  	s9 =	sor.u32 $0xD0000000, s2;
	s6 =	simm.s32 $0x108;
	_ =	swait.ge @!p0 [sflag:s8], $0x0  }
0x24: {  	s3 =	sadd.s32 $0x88, s3;
	s6 =	simm.s32 @!p1 $0x1082;
	[sflag:s4] =	ssyncset.s32 $0xFFFFF086  }
0x25: {  	[simem:s6], [sflag:s4] =	dma.local [hbm:s3], $0xF7A  }
0x26: {  	[smem:$0x3F9D] =	sst s1;
	(tag) =	ssettag s2;
	_ =	strace s9  }
0x27: {  	s1 =	sld [smem:$0x3FAD]  }
0x28: {  	s2 =	sld [smem:$0x3FAE]  }
0x29: {  	s4 =	sld [smem:$0x3FB0]  }
0x2a: {  	p0 =	seq.s32 s5, $0x0;
	s5 =	sld [smem:$0x3FB1]  }
0x2b: {  	s6 =	sld [smem:$0x3FB2]  }
0x2c: {  	s7 =	sld [smem:$0x3FB3]  }
0x2d: {  	s3 =	simm.s32 $0x108;
	s8 =	sld [smem:$0x3FB4]  }
0x2e: {  	s3 =	simm.s32 @!p0 $0x1082;
	s9 =	sld [smem:$0x3FB5]  }
0x2f: {  	lr =	sadd.s32 s0, s3;
	s0 =	sld [smem:$0x3FAC]  }
0x30: {  	s3 =	sld [smem:$0x3FAF]  }
0x31: {  	[smem:$0x3FB8] =	sst s10  }
0x32: {  	s10 =	sld [smem:$0x3FB6];
	_ =	sdelay $0x3  }
0x33: {  	p0 =	seq.s32 s10, $0x1;
	s10 =	sld [smem:$0x3FB8];
	_ =	sdelay $0x3  }
0x34: {  	[smem:$0x3FB8] =	sst s10  }
0x35: {  	s10 =	sld [smem:$0x3FB7];
	_ =	sdelay $0x3  }
0x36: {  	p1 =	seq.s32 s10, $0x1;
	s10 =	sld [smem:$0x3FB8];
	_ =	sdelay $0x3  }
0x37: {  	[smem:$0x3FB8] =	sst s10  }
0x38: {  	s10 =	sld [smem:$0x3FB9]  }
0x39: {  	_ = 	snop;
	(pc) =	sbr.ind lr, $3  }
0x3a: {  	_ = 	snop  }
0x3b: {  	_ = 	snop  }
0x3c: {  	p2 =	seq.s32 s10, $0x1;
	s10 =	sld [smem:$0x3FB8]  }
0x3d: {  	_ =	shalt  }
0x3e: {  	_ =	shalt  }
0x3f: {  	_ =	shalt  }
0x40: {  	_ =	shalt  }
0x41: {  	_ =	shalt  }
0x42: {  	_ =	shalt  }
0x43: {  	_ =	shalt  }
0x44: {  	_ =	shalt  }
0x45: {  	_ =	shalt  }
0x46: {  	_ =	shalt  }
0x47: {  	_ =	shalt  }
0x48: {  	_ =	shalt  }
0x49: {  	_ =	shalt  }
0x4a: {  	_ =	shalt  }
0x4b: {  	_ =	shalt  }
0x4c: {  	_ =	shalt  }
0x4d: {  	_ =	shalt  }
0x4e: {  	_ =	shalt  }
0x4f: {  	_ =	shalt  }
0x50: {  	_ =	shalt  }
0x51: {  	_ =	shalt  }
0x52: {  	_ =	shalt  }
0x53: {  	_ =	shalt  }
0x54: {  	_ =	shalt  }
0x55: {  	_ =	shalt  }
0x56: {  	_ =	shalt  }
0x57: {  	_ =	shalt  }
0x58: {  	_ =	shalt  }
0x59: {  	_ =	shalt  }
0x5a: {  	_ =	shalt  }
0x5b: {  	_ =	shalt  }
0x5c: {  	_ =	shalt  }
0x5d: {  	_ =	shalt  }
0x5e: {  	_ =	shalt  }
0x5f: {  	_ =	shalt  }
0x60: {  	_ =	shalt  }
0x61: {  	_ =	shalt  }
0x62: {  	_ =	shalt  }
0x63: {  	_ =	shalt  }
0x64: {  	_ =	shalt  }
0x65: {  	_ =	shalt  }
0x66: {  	_ =	shalt  }
0x67: {  	_ =	shalt  }
0x68: {  	_ =	shalt  }
0x69: {  	_ =	shalt  }
0x6a: {  	_ =	shalt  }
0x6b: {  	_ =	shalt  }
0x6c: {  	_ =	shalt  }
0x6d: {  	_ =	shalt  }
0x6e: {  	_ =	shalt  }
0x6f: {  	_ =	shalt  }
0x70: {  	_ =	shalt  }
0x71: {  	_ =	shalt  }
0x72: {  	_ =	shalt  }
0x73: {  	_ =	shalt  }
0x74: {  	_ =	shalt  }
0x75: {  	_ =	shalt  }
0x76: {  	_ =	shalt  }
0x77: {  	_ =	shalt  }
0x78: {  	_ =	shalt  }
0x79: {  	_ =	shalt  }
0x7a: {  	_ =	shalt  }
0x7b: {  	_ =	shalt  }
0x7c: {  	_ =	shalt  }
0x7d: {  	_ =	shalt  }
0x7e: {  	_ =	shalt  }
0x7f: {  	_ =	shalt  }
0x80: {  	_ =	shalt  }
0x81: {  	_ =	shalt  }
0x82: {  	_ =	shalt  }
0x83: {  	_ =	shalt  }
0x84: {  	_ =	shalt  }
0x85: {  	_ =	shalt  }
0x86: {  	_ =	shalt  }
0x87: {  	_ =	shalt  }
.Lfunc_end0:
.L_simem_size_0:
called_computation_lowered:
.L_overlay_start_0:
0x88: {  	s2 =	sld [smem:$0x3FD9]  }
0x89: {  	s3 =	sld [smem:$0x3FFE];
	_ =	sdelay $0x1  }
0x8a: {  	s1 =	srdreg.scid  }
0x8b: {  	s0 =	sand.u32 $0x1, s1  }
0x8c: {  	s16 =	sshll.u32 s0, $0xA;
	s2 =	sadd.s32 s3, s2  }
0x8d: {  	s2 =	sadd.s32 s2, s16  }
0x8e: {  	[smem:$0x3FC4] =	sst s2  }
0x8f: {  	_ = 	snop  }
0x90: {  	(tm) =	ssettm $0x1  }
0x91: {  	s17 =	sld [smem:$0x3FFB];
	_ =	sdelay $0x3  }
0x92: {  	_ =	strace s17  }
0x93: {  	s2 =	sld [smem:$0x3FFC];
	_ =	sdelay $0x3  }
0x94: {  	_ =	strace s2  }
0x95: {  	s2 =	sld [smem:$0x3FFD];
	_ =	sdelay $0x3  }
0x96: {  	_ =	strace s2  }
0x97: {  	_ =	strace $0x8FFFFFFF  }
0x98: {  	s18 =	sld [smem:$0x3FDB];
	_ =	sdelay $0x1  }
0x99: {  	s19 =	simm.s32 $_scs_section_size  }
0x9a: {  	s4 =	simm.s32 $_size__tile_overlayer_lowered;
	s5 =	simm.s32 $_tile_overlayer_lowered  }
0x9b: {  	s22 =	simm.s32 $0x1BFF;
	s21 =	sshll.u32 s5, $0x1;
	s2 =	sadd.s32 s19, s18  }
0x9c: {  	s6 =	simm.s32 $0x0;
	s20 =	sshll.u32 s4, $0x1;
	s4 =	sadd.s32 s21, s2  }
0x9d: {  	[timem:s6], [sflag:s22] =	dma.local [hbm:s4], s20  }
0x9e: {  	_ =	swait.ge [sflag:s22], s20  }
0x9f: {  	s3 =	ssub.s32 $0x0, s20;
	[sflag:s22] =	ssyncset.done $0x0  }
0xa0: {  	[sflag:s22] =	ssyncadd.s32 s3;
	_ =	sdelay $0x1  }
0xa1: {  	s23 =	simm.s32 $0x1B8B  }
0xa2: {  	_ =	swait.ge [sflag:s23], $0x1  }
0xa3: {  	[sflag:s23] =	ssyncset.done $0x0  }
0xa4: {  	s25 =	simm.s32 $0x1B8E;
	s24 =	sld [smem:$0x3FFE];
	[sflag:s23] =	ssyncadd.s32 $0xFFFFFFFF  }
0xa5: {  	s26 =	simm.s32 $execute0_lowered;
	[smem:$0x3FD2] =	sst s25  }
0xa6: {  	s4 =	sshll.u32 s26, $0x1;
	_ =	strace $0x80000046;
	[dreg:$0x1] =	wrdreg $0xFFFFFFFF  }
0xa7: {  	s28 =	simm.s32 $_size_execute0_lowered;
	s2 =	sadd.s32 s2, s4;
	[dreg:$0x0] =	wrdreg $0x0  }
0xa8: {  	s4 =	sshll.u32 s28, $0x1;
	[dreg:$0x2] =	wrdreg s2  }
0xa9: {  	[dreg:$0x3] =	wrdreg s4  }
0xaa: {  	[dreg:$0x4] =	wrdreg $0xC0  }
0xab: {  	_ =	task [dreg:s6], $0x5FFFF  }
0xac: {  	[dreg:$0x1] =	wrdreg $0xFFFFFFFF  }
0xad: {  	[dreg:$0x0] =	wrdreg $0x60  }
0xae: {  	[dreg:$0x2] =	wrdreg s24  }
0xaf: {  	[dreg:$0x3] =	wrdreg $0x9  }
0xb0: {  	_ =	task.clear_ibuf [dreg:s6], $0x4FFFF;
	_ =	strace $0x90000046  }
0xb1: {  	s29 =	simm.s32 $0x9;
	_ =	strace $0x80000048  }
0xb2: {  	_ =	swait.ge [sflag:s29], $0x1  }
0xb3: {  	[sflag:s29] =	ssyncadd.s32 $0xFFFFFFFF  }
0xb4: {  	_ =	strace $0x90000048  }
0xb5: {  	_ =	sfence  }
0xb6: {  	s30 =	sld [smem:$0x0];
	_ =	sdelay $0x2  }
0xb7: {  	s31 =	sshll.u32 s1, $0xD;
	s1 =	sshrl.u32 s1, $0x2  }
0xb8: {  	s3 =	sand.u32 $0x4000, s31;
	s1 =	sadd.s32 s1, s30  }
0xb9: {  	s0 =	sor.u32 s3, s0;
	s1 =	sshll.u32 s1, $0x11  }
0xba: {  	s0 =	sor.u32 s1, s0  }
0xbb: {  	s0 =	sadd.s32 $0x8F2B, s0  }
0xbc: {  	[sflag:s0] =	ssyncadd.remote.s32 $0x1  }
0xbd: {  	_ =	sfence.sel $0xFFFF  }
0xbe: {  	[dreg:$0x0] =	wrdreg $0xFFFFFFFF;
	(pc) =	sbr.abs _section_cstart, $3  }
0xbf: {  	[dreg:$0x1] =	wrdreg $0xFFFFFFFF  }
0xc0: {  	_ =	task.clear_ibuf [dreg:s6], $0x2FFFF;
	_ =	strace $0x9FFFFFFF  }
0xc1: {  	(tm) =	ssettm $0x7FFFFFFF  }
tec
execute0_lowered:
.L_overlay_start_1:
0x0: {  	(tag) =	ssettag $0x1  }
0x1: {  	s1 =	stileid.u32  }
0x2: {  	p0 =	sgt.u32 s1, $0x2  }
.Ltmp0:
0x3: {  	_ = 	snop;
	(pc) =	sbr.rel @p0 .LBB2_5-.Ltmp0, $4  }
0x4: {  	_ = 	snop  }
0x5: {  	s4 =	rddreg [dreg:$0x0];
	s2 =	simm.s32 $0x0  }
0x6: {  	[smem:$0x7FF] =	sst s2  }
0x7: {  	s0 =	rddreg [dreg:$0x1];
	_ =	strace $0x80000047  }
0x8: {  	s3 =	srdreg.scid;
	s5 =	sshll.u32 s1, $0x5;
	s8 =	simm.s32 $0x80  }
0x9: {  	s9 =	simm.s32 $0x400;
	s10 =	simm.s32 $0x5000;
	s3 =	sand.u32 $0x1, s3  }
0xa: {  	s11 =	simm.s32 $0xA000;
	s6 =	sshll.u32 s3, $0x4;
	s31 =	ssub.s32 $0x2, s3  }
0xb: {  	s3 =	sadd.s32 $0xE00, s4;
	s5 =	sor.u32 s6, s5;
	s7 =	sshrl.u32 s31, $0x1  }
0xc: {  	s5 =	sadd.s32 s5, s4;
	s6 =	ssub.s32 s31, s7;
	s7 =	simm.s32 $0x1  }
0xd: {  	v0 =	vimm.f32 $0.0e+00;
	s4 =	sadd.s32 $0x1800, s5;
	s5 =	sadd.s32 $0x6800, s5;
	s6 =	smax.u32 s6, $0x1  }
.LBB2_2:
0xe: {  	s12 =	simm.s32 $0x0  }
0xf: {  	[tilespmem:s12], [sflag:$0x1] =	stream.linear.gather [hbm4b:s3+s12], $0x5000, $0x38;
	[tilespmem:$0xAD00] =	vst v63  }
0x10: {  	_ =	swait.ge [sflag:s7], $0x5000  }
0x11: {  	[sflag:s7] =	ssyncset.done $0x0  }
0x12: {  	[sflag:s7] =	ssyncadd.s32 $0xFFFFB000  }
0x13: {  	[tilespmem:s10], [sflag:$0x1] =	stream.strided.gather [hbm4b:s4+s8], $0x5000, s9, s8, $0x38;
	[tilespmem:$0xAD00] =	vst v63  }
0x14: {  	_ =	swait.ge [sflag:s7], $0x5000  }
0x15: {  	[sflag:s7] =	ssyncset.done $0x0  }
0x16: {  	[sflag:s7] =	ssyncadd.s32 $0xFFFFB000  }
0x17: {  	[tilespmem:$0xACF0] =	vst v0  }
0x18: {  	[tilespmem:$0xACE0] =	vst v0  }
0x19: {  	[tilespmem:$0xACD0] =	vst v0  }
0x1a: {  	s13 =	simm.s32 $0x0;
	s12 =	simm.s32 $0x40;
	[tilespmem:$0xACC0] =	vst v0  }
.LBB2_3:
0x1b: {  	p0 =	sne.s32 s12, $0x13FC0;
	v1 =	vld [tilespmem:s13+$0x0];
	_ =	sdelay $0x2  }
0x1c: {  	v2 =	vld [tilespmem:s13+$0x5000]  }
.Ltmp1:
0x1d: {  	(pc) =	sbr.rel @p0 .LBB2_3-.Ltmp1, $2  }
0x1e: {  	_ =	sdelay $0x2  }
0x1f: {  	s13 =	sshra.s32 s12, $0x2;
	s12 =	sadd.s32 $0x40, s12;
	[tilespmem:v1+s11+$0x0] =	vst.idx.msk $0xffff, v2  }
0x20: {  	v1 =	vld [tilespmem:s13+$0x0];
	_ =	sdelay $0x2  }
0x21: {  	v2 =	vld [tilespmem:s13+$0x5000];
	_ =	sdelay $0x2  }
0x22: {  	s2 =	sadd.s32 $0x1, s2  }
0x23: {  	p0 =	sne.s32 s2, s6  }
.Ltmp2:
0x24: {  	[tilespmem:v1+s11+$0x0] =	vst.idx.msk $0xffff, v2;
	(pc) =	sbr.rel @p0 .LBB2_2-.Ltmp2, $4  }
0x25: {  	[hbm4b:s5+s8] =	stream.strided.scatter [tilespmem:s11], [sflag:$0x1], $0xD00, s9, s8, $0x38;
	[tilespmem:$0xAD00] =	vst v63  }
0x26: {  	_ =	swait.ge [sflag:s7], $0xD00  }
0x27: {  	[sflag:s7] =	ssyncset.done $0x0  }
0x28: {  	[sflag:s7] =	ssyncadd.s32 $0xFFFFF300  }
.LBB2_5:
0x29: {  	_ =	sfence.sel $0x180000  }
0x2a: {  	[bflag:$0x0] =	sbarrier.arrive $0xFFFF  }
0x2b: {  	p0 =	sne.s32 s1, $0x0;
	_ =	strace $0x90000047  }
0x2c: {  	s0 =	sadd.s32 @!p0 $0x100000, s0;
	[bflag:$0x2] =	sbarrier.arrive $0xFFFF  }
0x2d: {  	[sflag:s0] =	ssyncadd.tile.s32 @!p0 $0x1;
	_ =	shalt  }
.Lfunc_end2:
_tile_overlayer_lowered:
.L_overlay_start_2:
0x2e: {  	(tag) =	ssettag $0x2  }
0x2f: {  	s0 =	rddreg [dreg:$0x0];
	s2 =	stileid.u32  }
0x30: {  	s1 =	rddreg [dreg:$0x1];
	p0 =	sne.s32 s2, $0x0  }
0x31: {  	s3 =	rddreg [dreg:$0x2];
	[bflag:$0x3] =	sbarrier.arrive $0xFFFF;
	s2 =	simm.s32 @!p0 $0x1C01  }
0x32: {  	[timem:s3], [sflag:s2] =	dma.local @!p0 [hbm:s0], s1  }
0x33: {  	s0 =	simm.s32 @!p0 $0x1  }
0x34: {  	_ =	swait.ge @!p0 [sflag:s0], s1  }
0x35: {  	s1 =	ssub.s32 @!p0 $0x0, s1;
	[sflag:s0] =	ssyncset.done @!p0 $0x0  }
0x36: {  	[sflag:s0] =	ssyncadd.s32 @!p0 s1  }
0x37: {  	[bflag:$0x3] =	sbarrier.arrive $0xFFFF  }
0x38: {  	_ =	shalt  }

</sc_bundles>
